<compile_context>
chip_gen: v7x
topology: tpu7x:2x2x1
jax: 0.10.2.dev20260603
libtpu: 0.0.44.dev20260713+nightly
codegen_flags: <defaults>
</compile_context>

<pallas_src>
import functools
import math

import jax
import jax.numpy as jnp
from jax import lax
from jax.experimental import pallas as pl
from jax.experimental.pallas import tpu as pltpu
from jax.experimental.pallas import tpu_sc as plsc

VOCAB = 1000000
D_MODEL = 64
SCALE = math.sqrt(D_MODEL)

NUM_CORES = 2
NUM_SUBCORES = 16
NUM_WORKERS = NUM_CORES * NUM_SUBCORES
LANES = 16

BATCH = 4096
N_SEQ = 200
TOK_PER_W = BATCH // NUM_WORKERS
NBUF = 8


def _make_kernel():
    mesh = plsc.VectorSubcoreMesh(core_axis_name="c", subcore_axis_name="s")
    ids_per_w = TOK_PER_W * N_SEQ

    @functools.partial(
        pl.kernel,
        mesh=mesh,
        out_type=jax.ShapeDtypeStruct((BATCH, N_SEQ, D_MODEL), jnp.float32),
        scratch_types=[
            pltpu.VMEM((ids_per_w,), jnp.int32),
            [pltpu.VMEM((N_SEQ, D_MODEL), jnp.float32) for _ in range(NBUF)],
            [pltpu.SemaphoreType.DMA for _ in range(NBUF)],
            [pltpu.SemaphoreType.DMA for _ in range(NBUF)],
        ],
        compiler_params=pltpu.CompilerParams(
            use_tc_tiling_on_sc=False,
            needs_layout_passes=False,
            disable_bounds_checks=True,
        ),
    )
    def gather_scale(ids_hbm, tab_hbm, out_hbm, ids_v, gbufs, gsems, osems):
        wid = lax.axis_index("s") * NUM_CORES + lax.axis_index("c")
        tok0 = wid * TOK_PER_W

        pltpu.sync_copy(ids_hbm.at[pl.ds(wid * ids_per_w, ids_per_w)], ids_v)

        def issue_gather(t, b):
            pltpu.async_copy(
                tab_hbm.at[ids_v.at[pl.ds(t * N_SEQ, N_SEQ)]], gbufs[b], gsems[b]
            )

        def wait_gather(b):
            pltpu.make_async_copy(
                tab_hbm.at[ids_v.at[pl.ds(0, N_SEQ)]], gbufs[b], gsems[b]
            ).wait()

        def issue_out(t, b):
            pltpu.async_copy(gbufs[b], out_hbm.at[tok0 + t], osems[b])

        def wait_out(b):
            pltpu.make_async_copy(gbufs[b], out_hbm.at[0], osems[b]).wait()

        for b in range(NBUF - 1):
            issue_gather(b, b)

        def step(t, b):
            @pl.when(t + NBUF - 1 < TOK_PER_W)
            def _():
                nb = (b + NBUF - 1) % NBUF

                @pl.when(t >= 1)
                def _():
                    wait_out(nb)

                issue_gather(t + NBUF - 1, nb)

            wait_gather(b)
            issue_out(t, b)

        def outer(q, carry):
            for b in range(NBUF):
                step(q * NBUF + b, b)
            return carry

        lax.fori_loop(0, TOK_PER_W // NBUF, outer, 0)
        for b in range(NBUF):
            wait_out(b)

    return gather_scale


def kernel(input_ids, table):
    flat_ids = input_ids.reshape(-1).astype(jnp.int32)
    return _make_kernel()(flat_ids, table * SCALE)

# --- scband reference (transcript-rebuilt; emitter-appended) ---
"""Pipeline reference for scband-encoding-embedding-63591285785318 (READ-ONLY COPY).

The authoritative reference and input builder live on the scoring server;
editing this copy changes nothing except your own understanding.
"""

import jax, jax.numpy as jnp
import numpy as np
import math

VOCAB = 1000000
D_MODEL = 64

def setup_inputs(seed: int = 0) -> dict:
    key = jax.random.key(seed)
    k1, k2 = jax.random.split(key)
    input_ids = jax.random.randint(k1, (4096, 200), 0, VOCAB, dtype=jnp.int64 if jax.config.jax_enable_x64 else jnp.int32)
    table = jax.random.normal(k2, (VOCAB, D_MODEL), dtype=jnp.float32)
    return {"input_ids": input_ids, "table": table}

def reference(input_ids, table):
    embs = jnp.take(table, input_ids, axis=0)
    return embs * math.sqrt(D_MODEL)

if __name__ == "__main__":
    import jax
    _d = setup_inputs()
    print(jax.jit(kernel)(*tuple(_d.values())))

</pallas_src>

<mosaic_0001>
#map = affine_map<(d0, d1) -> (0)>
#map1 = affine_map<(d0, d1) -> (0, 0)>
#map2 = affine_map<(d0, d1) -> (0, 0, 0)>
module attributes {stable_mosaic.version = 14 : i64} {
  func.func @gather_scale(%arg0: i32, %arg1: i32, %arg2: memref<819200xi32, #tpu.memory_space<hbm>>, %arg3: memref<1000000x64xf32, #tpu.memory_space<hbm>>, %arg4: memref<4096x200x64xf32, #tpu.memory_space<hbm>>, %arg5: memref<25600xi32, #tpu.memory_space<vmem>>, %arg6: memref<200x64xf32, #tpu.memory_space<vmem>>, %arg7: memref<200x64xf32, #tpu.memory_space<vmem>>, %arg8: memref<200x64xf32, #tpu.memory_space<vmem>>, %arg9: memref<200x64xf32, #tpu.memory_space<vmem>>, %arg10: memref<200x64xf32, #tpu.memory_space<vmem>>, %arg11: memref<200x64xf32, #tpu.memory_space<vmem>>, %arg12: memref<200x64xf32, #tpu.memory_space<vmem>>, %arg13: memref<200x64xf32, #tpu.memory_space<vmem>>, %arg14: memref<!tpu.dma_semaphore, #tpu.memory_space<semaphore_mem>>, %arg15: memref<!tpu.dma_semaphore, #tpu.memory_space<semaphore_mem>>, %arg16: memref<!tpu.dma_semaphore, #tpu.memory_space<semaphore_mem>>, %arg17: memref<!tpu.dma_semaphore, #tpu.memory_space<semaphore_mem>>, %arg18: memref<!tpu.dma_semaphore, #tpu.memory_space<semaphore_mem>>, %arg19: memref<!tpu.dma_semaphore, #tpu.memory_space<semaphore_mem>>, %arg20: memref<!tpu.dma_semaphore, #tpu.memory_space<semaphore_mem>>, %arg21: memref<!tpu.dma_semaphore, #tpu.memory_space<semaphore_mem>>, %arg22: memref<!tpu.dma_semaphore, #tpu.memory_space<semaphore_mem>>, %arg23: memref<!tpu.dma_semaphore, #tpu.memory_space<semaphore_mem>>, %arg24: memref<!tpu.dma_semaphore, #tpu.memory_space<semaphore_mem>>, %arg25: memref<!tpu.dma_semaphore, #tpu.memory_space<semaphore_mem>>, %arg26: memref<!tpu.dma_semaphore, #tpu.memory_space<semaphore_mem>>, %arg27: memref<!tpu.dma_semaphore, #tpu.memory_space<semaphore_mem>>, %arg28: memref<!tpu.dma_semaphore, #tpu.memory_space<semaphore_mem>>, %arg29: memref<!tpu.dma_semaphore, #tpu.memory_space<semaphore_mem>>) attributes {dimension_semantics = [#tpu.dimension_semantics<core_parallel>, #tpu.dimension_semantics<subcore_parallel>], iteration_bounds = array<i64: 2, 16>, scalar_prefetch = 0 : i64, scratch_operands = 25 : i64, tpu.core_type = #tpu.core_type<sc_vector_subcore>, window_params = [{transform_indices = #map}, {transform_indices = #map1}, {transform_indices = #map2}]} {
    %mul3A = arith.constant 2 : i32
    %mul3A_0 = arith.muli %arg1, %mul3A : i32
    %add3A = arith.addi %mul3A_0, %arg0 : i32
    %mul3A_1 = arith.constant 128 : i32
    %mul3A_2 = arith.muli %add3A, %mul3A_1 : i32
    %mul3A_3 = arith.constant 25600 : i32
    %mul3A_4 = arith.muli %add3A, %mul3A_3 : i32
    "tpu.region"() ({
      %run_scoped3A = tpu.sem_alloc : memref<!tpu.dma_semaphore, #tpu.memory_space<semaphore_mem>>
      %dma_start3A_115 = tpu.memref_slice %arg2[%mul3A_4] : memref<819200xi32, #tpu.memory_space<hbm>> -> memref<25600xi32, #tpu.memory_space<hbm>>
      %dma_start3A_116 = tpu.memref_slice %arg2[%mul3A_4] : memref<819200xi32, #tpu.memory_space<hbm>> -> memref<25600xi32, #tpu.memory_space<hbm>>
      tpu.enqueue_dma source(%dma_start3A_116 : memref<25600xi32, #tpu.memory_space<hbm>>) target(%arg5 : memref<25600xi32, #tpu.memory_space<vmem>>) target_semaphore(%run_scoped3A : memref<!tpu.dma_semaphore, #tpu.memory_space<semaphore_mem>>)
      %dma_wait3A_117 = tpu.memref_slice %arg2[%mul3A_4] : memref<819200xi32, #tpu.memory_space<hbm>> -> memref<25600xi32, #tpu.memory_space<hbm>>
      %dma_wait3A_118 = tpu.memref_slice %arg2[%mul3A_4] : memref<819200xi32, #tpu.memory_space<hbm>> -> memref<25600xi32, #tpu.memory_space<hbm>>
      tpu.wait_dma2 semaphore(%run_scoped3A : memref<!tpu.dma_semaphore, #tpu.memory_space<semaphore_mem>>) src(%dma_wait3A_118 : memref<25600xi32, #tpu.memory_space<hbm>>) dst(%arg5 : memref<25600xi32, #tpu.memory_space<vmem>>)
      tpu.yield
    }) : () -> ()
    %dma_start3A = arith.constant 0 : i32
    %dma_start3A_5 = tpu.memref_slice %arg5[%dma_start3A] : memref<25600xi32, #tpu.memory_space<vmem>> -> memref<200xi32, #tpu.memory_space<vmem>>
    %dma_start3A_6 = arith.constant 0 : i32
    %dma_start3A_7 = arith.constant 0 : i32
    %dma_start3A_8 = tpu.memref_slice %arg3[%dma_start3A_6, %dma_start3A_7] : memref<1000000x64xf32, #tpu.memory_space<hbm>> -> memref<1000000x64xf32, #tpu.memory_space<hbm>>
    tpu.enqueue_indirect_dma source(%dma_start3A_8 : memref<1000000x64xf32, #tpu.memory_space<hbm>>) target(%arg6 : memref<200x64xf32, #tpu.memory_space<vmem>>) offsets(%dma_start3A_5 : memref<200xi32, #tpu.memory_space<vmem>>) semaphore(%arg14 : memref<!tpu.dma_semaphore, #tpu.memory_space<semaphore_mem>>)
    %dma_start3A_9 = arith.constant 200 : i32
    %dma_start3A_10 = tpu.memref_slice %arg5[%dma_start3A_9] : memref<25600xi32, #tpu.memory_space<vmem>> -> memref<200xi32, #tpu.memory_space<vmem>>
    %dma_start3A_11 = arith.constant 0 : i32
    %dma_start3A_12 = arith.constant 0 : i32
    %dma_start3A_13 = tpu.memref_slice %arg3[%dma_start3A_11, %dma_start3A_12] : memref<1000000x64xf32, #tpu.memory_space<hbm>> -> memref<1000000x64xf32, #tpu.memory_space<hbm>>
    tpu.enqueue_indirect_dma source(%dma_start3A_13 : memref<1000000x64xf32, #tpu.memory_space<hbm>>) target(%arg7 : memref<200x64xf32, #tpu.memory_space<vmem>>) offsets(%dma_start3A_10 : memref<200xi32, #tpu.memory_space<vmem>>) semaphore(%arg15 : memref<!tpu.dma_semaphore, #tpu.memory_space<semaphore_mem>>)
    %dma_start3A_14 = arith.constant 400 : i32
    %dma_start3A_15 = tpu.memref_slice %arg5[%dma_start3A_14] : memref<25600xi32, #tpu.memory_space<vmem>> -> memref<200xi32, #tpu.memory_space<vmem>>
    %dma_start3A_16 = arith.constant 0 : i32
    %dma_start3A_17 = arith.constant 0 : i32
    %dma_start3A_18 = tpu.memref_slice %arg3[%dma_start3A_16, %dma_start3A_17] : memref<1000000x64xf32, #tpu.memory_space<hbm>> -> memref<1000000x64xf32, #tpu.memory_space<hbm>>
    tpu.enqueue_indirect_dma source(%dma_start3A_18 : memref<1000000x64xf32, #tpu.memory_space<hbm>>) target(%arg8 : memref<200x64xf32, #tpu.memory_space<vmem>>) offsets(%dma_start3A_15 : memref<200xi32, #tpu.memory_space<vmem>>) semaphore(%arg16 : memref<!tpu.dma_semaphore, #tpu.memory_space<semaphore_mem>>)
    %dma_start3A_19 = arith.constant 600 : i32
    %dma_start3A_20 = tpu.memref_slice %arg5[%dma_start3A_19] : memref<25600xi32, #tpu.memory_space<vmem>> -> memref<200xi32, #tpu.memory_space<vmem>>
    %dma_start3A_21 = arith.constant 0 : i32
    %dma_start3A_22 = arith.constant 0 : i32
    %dma_start3A_23 = tpu.memref_slice %arg3[%dma_start3A_21, %dma_start3A_22] : memref<1000000x64xf32, #tpu.memory_space<hbm>> -> memref<1000000x64xf32, #tpu.memory_space<hbm>>
    tpu.enqueue_indirect_dma source(%dma_start3A_23 : memref<1000000x64xf32, #tpu.memory_space<hbm>>) target(%arg9 : memref<200x64xf32, #tpu.memory_space<vmem>>) offsets(%dma_start3A_20 : memref<200xi32, #tpu.memory_space<vmem>>) semaphore(%arg17 : memref<!tpu.dma_semaphore, #tpu.memory_space<semaphore_mem>>)
    %dma_start3A_24 = arith.constant 800 : i32
    %dma_start3A_25 = tpu.memref_slice %arg5[%dma_start3A_24] : memref<25600xi32, #tpu.memory_space<vmem>> -> memref<200xi32, #tpu.memory_space<vmem>>
    %dma_start3A_26 = arith.constant 0 : i32
    %dma_start3A_27 = arith.constant 0 : i32
    %dma_start3A_28 = tpu.memref_slice %arg3[%dma_start3A_26, %dma_start3A_27] : memref<1000000x64xf32, #tpu.memory_space<hbm>> -> memref<1000000x64xf32, #tpu.memory_space<hbm>>
    tpu.enqueue_indirect_dma source(%dma_start3A_28 : memref<1000000x64xf32, #tpu.memory_space<hbm>>) target(%arg10 : memref<200x64xf32, #tpu.memory_space<vmem>>) offsets(%dma_start3A_25 : memref<200xi32, #tpu.memory_space<vmem>>) semaphore(%arg18 : memref<!tpu.dma_semaphore, #tpu.memory_space<semaphore_mem>>)
    %dma_start3A_29 = arith.constant 1000 : i32
    %dma_start3A_30 = tpu.memref_slice %arg5[%dma_start3A_29] : memref<25600xi32, #tpu.memory_space<vmem>> -> memref<200xi32, #tpu.memory_space<vmem>>
    %dma_start3A_31 = arith.constant 0 : i32
    %dma_start3A_32 = arith.constant 0 : i32
    %dma_start3A_33 = tpu.memref_slice %arg3[%dma_start3A_31, %dma_start3A_32] : memref<1000000x64xf32, #tpu.memory_space<hbm>> -> memref<1000000x64xf32, #tpu.memory_space<hbm>>
    tpu.enqueue_indirect_dma source(%dma_start3A_33 : memref<1000000x64xf32, #tpu.memory_space<hbm>>) target(%arg11 : memref<200x64xf32, #tpu.memory_space<vmem>>) offsets(%dma_start3A_30 : memref<200xi32, #tpu.memory_space<vmem>>) semaphore(%arg19 : memref<!tpu.dma_semaphore, #tpu.memory_space<semaphore_mem>>)
    %dma_start3A_34 = arith.constant 1200 : i32
    %dma_start3A_35 = tpu.memref_slice %arg5[%dma_start3A_34] : memref<25600xi32, #tpu.memory_space<vmem>> -> memref<200xi32, #tpu.memory_space<vmem>>
    %dma_start3A_36 = arith.constant 0 : i32
    %dma_start3A_37 = arith.constant 0 : i32
    %dma_start3A_38 = tpu.memref_slice %arg3[%dma_start3A_36, %dma_start3A_37] : memref<1000000x64xf32, #tpu.memory_space<hbm>> -> memref<1000000x64xf32, #tpu.memory_space<hbm>>
    tpu.enqueue_indirect_dma source(%dma_start3A_38 : memref<1000000x64xf32, #tpu.memory_space<hbm>>) target(%arg12 : memref<200x64xf32, #tpu.memory_space<vmem>>) offsets(%dma_start3A_35 : memref<200xi32, #tpu.memory_space<vmem>>) semaphore(%arg20 : memref<!tpu.dma_semaphore, #tpu.memory_space<semaphore_mem>>)
    %scan3A = arith.constant 0 : i32
    %scan3A_39 = arith.constant 0 : i32
    %scan3A_40 = arith.constant 16 : i32
    %scan3A_41 = arith.addi %scan3A_39, %scan3A_40 : i32
    %scan3A_42 = arith.constant 1 : i32
    scf.for %scan3A_115 = %scan3A_39 to %scan3A_41 step %scan3A_42  : i32 {
      %mul3A_116 = arith.constant 8 : i32
      %mul3A_117 = arith.muli %scan3A_115, %mul3A_116 : i32
      %add3A_118 = arith.constant 0 : i32
      %add3A_119 = arith.addi %mul3A_117, %add3A_118 : i32
      %add3A_120 = arith.constant 8 : i32
      %add3A_121 = arith.addi %add3A_119, %add3A_120 : i32
      %sub3A = arith.constant 1 : i32
      %sub3A_122 = arith.subi %add3A_121, %sub3A : i32
      %lt3A = arith.constant 128 : i32
      %lt3A_123 = arith.cmpi slt, %sub3A_122, %lt3A : i32
      %convert_element_type3A = arith.extui %lt3A_123 : i1 to i32
      %cond3A = arith.constant 0 : i32
      %cond3A_124 = arith.cmpi ne, %convert_element_type3A, %cond3A : i32
      scf.if %cond3A_124 {
        %ge3A = arith.constant 1 : i32
        %ge3A_328 = arith.cmpi sge, %add3A_119, %ge3A : i32
        %convert_element_type3A_329 = arith.extui %ge3A_328 : i1 to i32
        %cond3A_330 = arith.constant 0 : i32
        %cond3A_331 = arith.cmpi ne, %convert_element_type3A_329, %cond3A_330 : i32
        scf.if %cond3A_331 {
          %dma_wait3A_342 = arith.constant 0 : i32
          %dma_wait3A_343 = arith.constant 0 : i32
          %dma_wait3A_344 = arith.constant 0 : i32
          %dma_wait3A_345 = tpu.memref_slice %arg4[%dma_wait3A_342, %dma_wait3A_343, %dma_wait3A_344] : memref<4096x200x64xf32, #tpu.memory_space<hbm>> -> memref<1x200x64xf32, #tpu.memory_space<hbm>>
          %dma_wait3A_346 = tpu.memref_squeeze %dma_wait3A_345 : memref<1x200x64xf32, #tpu.memory_space<hbm>> -> memref<200x64xf32, #tpu.memory_space<hbm>>
          %dma_wait3A_347 = arith.constant 0 : i32
          %dma_wait3A_348 = arith.constant 0 : i32
          %dma_wait3A_349 = tpu.memref_slice %arg4[%dma_wait3A_342, %dma_wait3A_347, %dma_wait3A_348] : memref<4096x200x64xf32, #tpu.memory_space<hbm>> -> memref<1x200x64xf32, #tpu.memory_space<hbm>>
          %dma_wait3A_350 = tpu.memref_squeeze %dma_wait3A_349 : memref<1x200x64xf32, #tpu.memory_space<hbm>> -> memref<200x64xf32, #tpu.memory_space<hbm>>
          tpu.wait_dma2 semaphore(%arg29 : memref<!tpu.dma_semaphore, #tpu.memory_space<semaphore_mem>>) src(%arg13 : memref<200x64xf32, #tpu.memory_space<vmem>>) dst(%dma_wait3A_350 : memref<200x64xf32, #tpu.memory_space<hbm>>)
        } else {
        }
        %add3A_332 = arith.constant 8 : i32
        %add3A_333 = arith.addi %add3A_119, %add3A_332 : i32
        %sub3A_334 = arith.constant 1 : i32
        %sub3A_335 = arith.subi %add3A_333, %sub3A_334 : i32
        %mul3A_336 = arith.constant 200 : i32
        %mul3A_337 = arith.muli %sub3A_335, %mul3A_336 : i32
        %dma_start3A_338 = tpu.memref_slice %arg5[%mul3A_337] : memref<25600xi32, #tpu.memory_space<vmem>> -> memref<200xi32, #tpu.memory_space<vmem>>
        %dma_start3A_339 = arith.constant 0 : i32
        %dma_start3A_340 = arith.constant 0 : i32
        %dma_start3A_341 = tpu.memref_slice %arg3[%dma_start3A_339, %dma_start3A_340] : memref<1000000x64xf32, #tpu.memory_space<hbm>> -> memref<1000000x64xf32, #tpu.memory_space<hbm>>
        tpu.enqueue_indirect_dma source(%dma_start3A_341 : memref<1000000x64xf32, #tpu.memory_space<hbm>>) target(%arg13 : memref<200x64xf32, #tpu.memory_space<vmem>>) offsets(%dma_start3A_338 : memref<200xi32, #tpu.memory_space<vmem>>) semaphore(%arg21 : memref<!tpu.dma_semaphore, #tpu.memory_space<semaphore_mem>>)
      } else {
      }
      %dma_wait3A_125 = arith.constant 0 : i32
      %dma_wait3A_126 = tpu.memref_slice %arg5[%dma_wait3A_125] : memref<25600xi32, #tpu.memory_space<vmem>> -> memref<200xi32, #tpu.memory_space<vmem>>
      %dma_wait3A_127 = arith.constant 0 : i32
      %dma_wait3A_128 = arith.constant 0 : i32
      %dma_wait3A_129 = tpu.memref_slice %arg3[%dma_wait3A_127, %dma_wait3A_128] : memref<1000000x64xf32, #tpu.memory_space<hbm>> -> memref<1000000x64xf32, #tpu.memory_space<hbm>>
      tpu.wait_indirect_dma semaphore(%arg14 : memref<!tpu.dma_semaphore, #tpu.memory_space<semaphore_mem>>) src(%dma_wait3A_129 : memref<1000000x64xf32, #tpu.memory_space<hbm>>) dst(%arg6 : memref<200x64xf32, #tpu.memory_space<vmem>>)
      %add3A_130 = arith.addi %mul3A_2, %add3A_119 : i32
      %dma_start3A_131 = arith.constant 0 : i32
      %dma_start3A_132 = arith.constant 0 : i32
      %dma_start3A_133 = tpu.memref_slice %arg4[%add3A_130, %dma_start3A_131, %dma_start3A_132] : memref<4096x200x64xf32, #tpu.memory_space<hbm>> -> memref<1x200x64xf32, #tpu.memory_space<hbm>>
      %dma_start3A_134 = tpu.memref_squeeze %dma_start3A_133 : memref<1x200x64xf32, #tpu.memory_space<hbm>> -> memref<200x64xf32, #tpu.memory_space<hbm>>
      %dma_start3A_135 = arith.constant 0 : i32
      %dma_start3A_136 = arith.constant 0 : i32
      %dma_start3A_137 = tpu.memref_slice %arg4[%add3A_130, %dma_start3A_135, %dma_start3A_136] : memref<4096x200x64xf32, #tpu.memory_space<hbm>> -> memref<1x200x64xf32, #tpu.memory_space<hbm>>
      %dma_start3A_138 = tpu.memref_squeeze %dma_start3A_137 : memref<1x200x64xf32, #tpu.memory_space<hbm>> -> memref<200x64xf32, #tpu.memory_space<hbm>>
      tpu.enqueue_dma source(%arg6 : memref<200x64xf32, #tpu.memory_space<vmem>>) target(%dma_start3A_138 : memref<200x64xf32, #tpu.memory_space<hbm>>) target_semaphore(%arg22 : memref<!tpu.dma_semaphore, #tpu.memory_space<semaphore_mem>>)
      %mul3A_139 = arith.constant 8 : i32
      %mul3A_140 = arith.muli %scan3A_115, %mul3A_139 : i32
      %add3A_141 = arith.constant 1 : i32
      %add3A_142 = arith.addi %mul3A_140, %add3A_141 : i32
      %add3A_143 = arith.constant 8 : i32
      %add3A_144 = arith.addi %add3A_142, %add3A_143 : i32
      %sub3A_145 = arith.constant 1 : i32
      %sub3A_146 = arith.subi %add3A_144, %sub3A_145 : i32
      %lt3A_147 = arith.constant 128 : i32
      %lt3A_148 = arith.cmpi slt, %sub3A_146, %lt3A_147 : i32
      %convert_element_type3A_149 = arith.extui %lt3A_148 : i1 to i32
      %cond3A_150 = arith.constant 0 : i32
      %cond3A_151 = arith.cmpi ne, %convert_element_type3A_149, %cond3A_150 : i32
      scf.if %cond3A_151 {
        %ge3A = arith.constant 1 : i32
        %ge3A_328 = arith.cmpi sge, %add3A_142, %ge3A : i32
        %convert_element_type3A_329 = arith.extui %ge3A_328 : i1 to i32
        %cond3A_330 = arith.constant 0 : i32
        %cond3A_331 = arith.cmpi ne, %convert_element_type3A_329, %cond3A_330 : i32
        scf.if %cond3A_331 {
          %dma_wait3A_342 = arith.constant 0 : i32
          %dma_wait3A_343 = arith.constant 0 : i32
          %dma_wait3A_344 = arith.constant 0 : i32
          %dma_wait3A_345 = tpu.memref_slice %arg4[%dma_wait3A_342, %dma_wait3A_343, %dma_wait3A_344] : memref<4096x200x64xf32, #tpu.memory_space<hbm>> -> memref<1x200x64xf32, #tpu.memory_space<hbm>>
          %dma_wait3A_346 = tpu.memref_squeeze %dma_wait3A_345 : memref<1x200x64xf32, #tpu.memory_space<hbm>> -> memref<200x64xf32, #tpu.memory_space<hbm>>
          %dma_wait3A_347 = arith.constant 0 : i32
          %dma_wait3A_348 = arith.constant 0 : i32
          %dma_wait3A_349 = tpu.memref_slice %arg4[%dma_wait3A_342, %dma_wait3A_347, %dma_wait3A_348] : memref<4096x200x64xf32, #tpu.memory_space<hbm>> -> memref<1x200x64xf32, #tpu.memory_space<hbm>>
          %dma_wait3A_350 = tpu.memref_squeeze %dma_wait3A_349 : memref<1x200x64xf32, #tpu.memory_space<hbm>> -> memref<200x64xf32, #tpu.memory_space<hbm>>
          tpu.wait_dma2 semaphore(%arg22 : memref<!tpu.dma_semaphore, #tpu.memory_space<semaphore_mem>>) src(%arg6 : memref<200x64xf32, #tpu.memory_space<vmem>>) dst(%dma_wait3A_350 : memref<200x64xf32, #tpu.memory_space<hbm>>)
        } else {
        }
        %add3A_332 = arith.constant 8 : i32
        %add3A_333 = arith.addi %add3A_142, %add3A_332 : i32
        %sub3A_334 = arith.constant 1 : i32
        %sub3A_335 = arith.subi %add3A_333, %sub3A_334 : i32
        %mul3A_336 = arith.constant 200 : i32
        %mul3A_337 = arith.muli %sub3A_335, %mul3A_336 : i32
        %dma_start3A_338 = tpu.memref_slice %arg5[%mul3A_337] : memref<25600xi32, #tpu.memory_space<vmem>> -> memref<200xi32, #tpu.memory_space<vmem>>
        %dma_start3A_339 = arith.constant 0 : i32
        %dma_start3A_340 = arith.constant 0 : i32
        %dma_start3A_341 = tpu.memref_slice %arg3[%dma_start3A_339, %dma_start3A_340] : memref<1000000x64xf32, #tpu.memory_space<hbm>> -> memref<1000000x64xf32, #tpu.memory_space<hbm>>
        tpu.enqueue_indirect_dma source(%dma_start3A_341 : memref<1000000x64xf32, #tpu.memory_space<hbm>>) target(%arg6 : memref<200x64xf32, #tpu.memory_space<vmem>>) offsets(%dma_start3A_338 : memref<200xi32, #tpu.memory_space<vmem>>) semaphore(%arg14 : memref<!tpu.dma_semaphore, #tpu.memory_space<semaphore_mem>>)
      } else {
      }
      %dma_wait3A_152 = arith.constant 0 : i32
      %dma_wait3A_153 = tpu.memref_slice %arg5[%dma_wait3A_152] : memref<25600xi32, #tpu.memory_space<vmem>> -> memref<200xi32, #tpu.memory_space<vmem>>
      %dma_wait3A_154 = arith.constant 0 : i32
      %dma_wait3A_155 = arith.constant 0 : i32
      %dma_wait3A_156 = tpu.memref_slice %arg3[%dma_wait3A_154, %dma_wait3A_155] : memref<1000000x64xf32, #tpu.memory_space<hbm>> -> memref<1000000x64xf32, #tpu.memory_space<hbm>>
      tpu.wait_indirect_dma semaphore(%arg15 : memref<!tpu.dma_semaphore, #tpu.memory_space<semaphore_mem>>) src(%dma_wait3A_156 : memref<1000000x64xf32, #tpu.memory_space<hbm>>) dst(%arg7 : memref<200x64xf32, #tpu.memory_space<vmem>>)
      %add3A_157 = arith.addi %mul3A_2, %add3A_142 : i32
      %dma_start3A_158 = arith.constant 0 : i32
      %dma_start3A_159 = arith.constant 0 : i32
      %dma_start3A_160 = tpu.memref_slice %arg4[%add3A_157, %dma_start3A_158, %dma_start3A_159] : memref<4096x200x64xf32, #tpu.memory_space<hbm>> -> memref<1x200x64xf32, #tpu.memory_space<hbm>>
      %dma_start3A_161 = tpu.memref_squeeze %dma_start3A_160 : memref<1x200x64xf32, #tpu.memory_space<hbm>> -> memref<200x64xf32, #tpu.memory_space<hbm>>
      %dma_start3A_162 = arith.constant 0 : i32
      %dma_start3A_163 = arith.constant 0 : i32
      %dma_start3A_164 = tpu.memref_slice %arg4[%add3A_157, %dma_start3A_162, %dma_start3A_163] : memref<4096x200x64xf32, #tpu.memory_space<hbm>> -> memref<1x200x64xf32, #tpu.memory_space<hbm>>
      %dma_start3A_165 = tpu.memref_squeeze %dma_start3A_164 : memref<1x200x64xf32, #tpu.memory_space<hbm>> -> memref<200x64xf32, #tpu.memory_space<hbm>>
      tpu.enqueue_dma source(%arg7 : memref<200x64xf32, #tpu.memory_space<vmem>>) target(%dma_start3A_165 : memref<200x64xf32, #tpu.memory_space<hbm>>) target_semaphore(%arg23 : memref<!tpu.dma_semaphore, #tpu.memory_space<semaphore_mem>>)
      %mul3A_166 = arith.constant 8 : i32
      %mul3A_167 = arith.muli %scan3A_115, %mul3A_166 : i32
      %add3A_168 = arith.constant 2 : i32
      %add3A_169 = arith.addi %mul3A_167, %add3A_168 : i32
      %add3A_170 = arith.constant 8 : i32
      %add3A_171 = arith.addi %add3A_169, %add3A_170 : i32
      %sub3A_172 = arith.constant 1 : i32
      %sub3A_173 = arith.subi %add3A_171, %sub3A_172 : i32
      %lt3A_174 = arith.constant 128 : i32
      %lt3A_175 = arith.cmpi slt, %sub3A_173, %lt3A_174 : i32
      %convert_element_type3A_176 = arith.extui %lt3A_175 : i1 to i32
      %cond3A_177 = arith.constant 0 : i32
      %cond3A_178 = arith.cmpi ne, %convert_element_type3A_176, %cond3A_177 : i32
      scf.if %cond3A_178 {
        %ge3A = arith.constant 1 : i32
        %ge3A_328 = arith.cmpi sge, %add3A_169, %ge3A : i32
        %convert_element_type3A_329 = arith.extui %ge3A_328 : i1 to i32
        %cond3A_330 = arith.constant 0 : i32
        %cond3A_331 = arith.cmpi ne, %convert_element_type3A_329, %cond3A_330 : i32
        scf.if %cond3A_331 {
          %dma_wait3A_342 = arith.constant 0 : i32
          %dma_wait3A_343 = arith.constant 0 : i32
          %dma_wait3A_344 = arith.constant 0 : i32
          %dma_wait3A_345 = tpu.memref_slice %arg4[%dma_wait3A_342, %dma_wait3A_343, %dma_wait3A_344] : memref<4096x200x64xf32, #tpu.memory_space<hbm>> -> memref<1x200x64xf32, #tpu.memory_space<hbm>>
          %dma_wait3A_346 = tpu.memref_squeeze %dma_wait3A_345 : memref<1x200x64xf32, #tpu.memory_space<hbm>> -> memref<200x64xf32, #tpu.memory_space<hbm>>
          %dma_wait3A_347 = arith.constant 0 : i32
          %dma_wait3A_348 = arith.constant 0 : i32
          %dma_wait3A_349 = tpu.memref_slice %arg4[%dma_wait3A_342, %dma_wait3A_347, %dma_wait3A_348] : memref<4096x200x64xf32, #tpu.memory_space<hbm>> -> memref<1x200x64xf32, #tpu.memory_space<hbm>>
          %dma_wait3A_350 = tpu.memref_squeeze %dma_wait3A_349 : memref<1x200x64xf32, #tpu.memory_space<hbm>> -> memref<200x64xf32, #tpu.memory_space<hbm>>
          tpu.wait_dma2 semaphore(%arg23 : memref<!tpu.dma_semaphore, #tpu.memory_space<semaphore_mem>>) src(%arg7 : memref<200x64xf32, #tpu.memory_space<vmem>>) dst(%dma_wait3A_350 : memref<200x64xf32, #tpu.memory_space<hbm>>)
        } else {
        }
        %add3A_332 = arith.constant 8 : i32
        %add3A_333 = arith.addi %add3A_169, %add3A_332 : i32
        %sub3A_334 = arith.constant 1 : i32
        %sub3A_335 = arith.subi %add3A_333, %sub3A_334 : i32
        %mul3A_336 = arith.constant 200 : i32
        %mul3A_337 = arith.muli %sub3A_335, %mul3A_336 : i32
        %dma_start3A_338 = tpu.memref_slice %arg5[%mul3A_337] : memref<25600xi32, #tpu.memory_space<vmem>> -> memref<200xi32, #tpu.memory_space<vmem>>
        %dma_start3A_339 = arith.constant 0 : i32
        %dma_start3A_340 = arith.constant 0 : i32
        %dma_start3A_341 = tpu.memref_slice %arg3[%dma_start3A_339, %dma_start3A_340] : memref<1000000x64xf32, #tpu.memory_space<hbm>> -> memref<1000000x64xf32, #tpu.memory_space<hbm>>
        tpu.enqueue_indirect_dma source(%dma_start3A_341 : memref<1000000x64xf32, #tpu.memory_space<hbm>>) target(%arg7 : memref<200x64xf32, #tpu.memory_space<vmem>>) offsets(%dma_start3A_338 : memref<200xi32, #tpu.memory_space<vmem>>) semaphore(%arg15 : memref<!tpu.dma_semaphore, #tpu.memory_space<semaphore_mem>>)
      } else {
      }
      %dma_wait3A_179 = arith.constant 0 : i32
      %dma_wait3A_180 = tpu.memref_slice %arg5[%dma_wait3A_179] : memref<25600xi32, #tpu.memory_space<vmem>> -> memref<200xi32, #tpu.memory_space<vmem>>
      %dma_wait3A_181 = arith.constant 0 : i32
      %dma_wait3A_182 = arith.constant 0 : i32
      %dma_wait3A_183 = tpu.memref_slice %arg3[%dma_wait3A_181, %dma_wait3A_182] : memref<1000000x64xf32, #tpu.memory_space<hbm>> -> memref<1000000x64xf32, #tpu.memory_space<hbm>>
      tpu.wait_indirect_dma semaphore(%arg16 : memref<!tpu.dma_semaphore, #tpu.memory_space<semaphore_mem>>) src(%dma_wait3A_183 : memref<1000000x64xf32, #tpu.memory_space<hbm>>) dst(%arg8 : memref<200x64xf32, #tpu.memory_space<vmem>>)
      %add3A_184 = arith.addi %mul3A_2, %add3A_169 : i32
      %dma_start3A_185 = arith.constant 0 : i32
      %dma_start3A_186 = arith.constant 0 : i32
      %dma_start3A_187 = tpu.memref_slice %arg4[%add3A_184, %dma_start3A_185, %dma_start3A_186] : memref<4096x200x64xf32, #tpu.memory_space<hbm>> -> memref<1x200x64xf32, #tpu.memory_space<hbm>>
      %dma_start3A_188 = tpu.memref_squeeze %dma_start3A_187 : memref<1x200x64xf32, #tpu.memory_space<hbm>> -> memref<200x64xf32, #tpu.memory_space<hbm>>
      %dma_start3A_189 = arith.constant 0 : i32
      %dma_start3A_190 = arith.constant 0 : i32
      %dma_start3A_191 = tpu.memref_slice %arg4[%add3A_184, %dma_start3A_189, %dma_start3A_190] : memref<4096x200x64xf32, #tpu.memory_space<hbm>> -> memref<1x200x64xf32, #tpu.memory_space<hbm>>
      %dma_start3A_192 = tpu.memref_squeeze %dma_start3A_191 : memref<1x200x64xf32, #tpu.memory_space<hbm>> -> memref<200x64xf32, #tpu.memory_space<hbm>>
      tpu.enqueue_dma source(%arg8 : memref<200x64xf32, #tpu.memory_space<vmem>>) target(%dma_start3A_192 : memref<200x64xf32, #tpu.memory_space<hbm>>) target_semaphore(%arg24 : memref<!tpu.dma_semaphore, #tpu.memory_space<semaphore_mem>>)
      %mul3A_193 = arith.constant 8 : i32
      %mul3A_194 = arith.muli %scan3A_115, %mul3A_193 : i32
      %add3A_195 = arith.constant 3 : i32
      %add3A_196 = arith.addi %mul3A_194, %add3A_195 : i32
      %add3A_197 = arith.constant 8 : i32
      %add3A_198 = arith.addi %add3A_196, %add3A_197 : i32
      %sub3A_199 = arith.constant 1 : i32
      %sub3A_200 = arith.subi %add3A_198, %sub3A_199 : i32
      %lt3A_201 = arith.constant 128 : i32
      %lt3A_202 = arith.cmpi slt, %sub3A_200, %lt3A_201 : i32
      %convert_element_type3A_203 = arith.extui %lt3A_202 : i1 to i32
      %cond3A_204 = arith.constant 0 : i32
      %cond3A_205 = arith.cmpi ne, %convert_element_type3A_203, %cond3A_204 : i32
      scf.if %cond3A_205 {
        %ge3A = arith.constant 1 : i32
        %ge3A_328 = arith.cmpi sge, %add3A_196, %ge3A : i32
        %convert_element_type3A_329 = arith.extui %ge3A_328 : i1 to i32
        %cond3A_330 = arith.constant 0 : i32
        %cond3A_331 = arith.cmpi ne, %convert_element_type3A_329, %cond3A_330 : i32
        scf.if %cond3A_331 {
          %dma_wait3A_342 = arith.constant 0 : i32
          %dma_wait3A_343 = arith.constant 0 : i32
          %dma_wait3A_344 = arith.constant 0 : i32
          %dma_wait3A_345 = tpu.memref_slice %arg4[%dma_wait3A_342, %dma_wait3A_343, %dma_wait3A_344] : memref<4096x200x64xf32, #tpu.memory_space<hbm>> -> memref<1x200x64xf32, #tpu.memory_space<hbm>>
          %dma_wait3A_346 = tpu.memref_squeeze %dma_wait3A_345 : memref<1x200x64xf32, #tpu.memory_space<hbm>> -> memref<200x64xf32, #tpu.memory_space<hbm>>
          %dma_wait3A_347 = arith.constant 0 : i32
          %dma_wait3A_348 = arith.constant 0 : i32
          %dma_wait3A_349 = tpu.memref_slice %arg4[%dma_wait3A_342, %dma_wait3A_347, %dma_wait3A_348] : memref<4096x200x64xf32, #tpu.memory_space<hbm>> -> memref<1x200x64xf32, #tpu.memory_space<hbm>>
          %dma_wait3A_350 = tpu.memref_squeeze %dma_wait3A_349 : memref<1x200x64xf32, #tpu.memory_space<hbm>> -> memref<200x64xf32, #tpu.memory_space<hbm>>
          tpu.wait_dma2 semaphore(%arg24 : memref<!tpu.dma_semaphore, #tpu.memory_space<semaphore_mem>>) src(%arg8 : memref<200x64xf32, #tpu.memory_space<vmem>>) dst(%dma_wait3A_350 : memref<200x64xf32, #tpu.memory_space<hbm>>)
        } else {
        }
        %add3A_332 = arith.constant 8 : i32
        %add3A_333 = arith.addi %add3A_196, %add3A_332 : i32
        %sub3A_334 = arith.constant 1 : i32
        %sub3A_335 = arith.subi %add3A_333, %sub3A_334 : i32
        %mul3A_336 = arith.constant 200 : i32
        %mul3A_337 = arith.muli %sub3A_335, %mul3A_336 : i32
        %dma_start3A_338 = tpu.memref_slice %arg5[%mul3A_337] : memref<25600xi32, #tpu.memory_space<vmem>> -> memref<200xi32, #tpu.memory_space<vmem>>
        %dma_start3A_339 = arith.constant 0 : i32
        %dma_start3A_340 = arith.constant 0 : i32
        %dma_start3A_341 = tpu.memref_slice %arg3[%dma_start3A_339, %dma_start3A_340] : memref<1000000x64xf32, #tpu.memory_space<hbm>> -> memref<1000000x64xf32, #tpu.memory_space<hbm>>
        tpu.enqueue_indirect_dma source(%dma_start3A_341 : memref<1000000x64xf32, #tpu.memory_space<hbm>>) target(%arg8 : memref<200x64xf32, #tpu.memory_space<vmem>>) offsets(%dma_start3A_338 : memref<200xi32, #tpu.memory_space<vmem>>) semaphore(%arg16 : memref<!tpu.dma_semaphore, #tpu.memory_space<semaphore_mem>>)
      } else {
      }
      %dma_wait3A_206 = arith.constant 0 : i32
      %dma_wait3A_207 = tpu.memref_slice %arg5[%dma_wait3A_206] : memref<25600xi32, #tpu.memory_space<vmem>> -> memref<200xi32, #tpu.memory_space<vmem>>
      %dma_wait3A_208 = arith.constant 0 : i32
      %dma_wait3A_209 = arith.constant 0 : i32
      %dma_wait3A_210 = tpu.memref_slice %arg3[%dma_wait3A_208, %dma_wait3A_209] : memref<1000000x64xf32, #tpu.memory_space<hbm>> -> memref<1000000x64xf32, #tpu.memory_space<hbm>>
      tpu.wait_indirect_dma semaphore(%arg17 : memref<!tpu.dma_semaphore, #tpu.memory_space<semaphore_mem>>) src(%dma_wait3A_210 : memref<1000000x64xf32, #tpu.memory_space<hbm>>) dst(%arg9 : memref<200x64xf32, #tpu.memory_space<vmem>>)
      %add3A_211 = arith.addi %mul3A_2, %add3A_196 : i32
      %dma_start3A_212 = arith.constant 0 : i32
      %dma_start3A_213 = arith.constant 0 : i32
      %dma_start3A_214 = tpu.memref_slice %arg4[%add3A_211, %dma_start3A_212, %dma_start3A_213] : memref<4096x200x64xf32, #tpu.memory_space<hbm>> -> memref<1x200x64xf32, #tpu.memory_space<hbm>>
      %dma_start3A_215 = tpu.memref_squeeze %dma_start3A_214 : memref<1x200x64xf32, #tpu.memory_space<hbm>> -> memref<200x64xf32, #tpu.memory_space<hbm>>
      %dma_start3A_216 = arith.constant 0 : i32
      %dma_start3A_217 = arith.constant 0 : i32
      %dma_start3A_218 = tpu.memref_slice %arg4[%add3A_211, %dma_start3A_216, %dma_start3A_217] : memref<4096x200x64xf32, #tpu.memory_space<hbm>> -> memref<1x200x64xf32, #tpu.memory_space<hbm>>
      %dma_start3A_219 = tpu.memref_squeeze %dma_start3A_218 : memref<1x200x64xf32, #tpu.memory_space<hbm>> -> memref<200x64xf32, #tpu.memory_space<hbm>>
      tpu.enqueue_dma source(%arg9 : memref<200x64xf32, #tpu.memory_space<vmem>>) target(%dma_start3A_219 : memref<200x64xf32, #tpu.memory_space<hbm>>) target_semaphore(%arg25 : memref<!tpu.dma_semaphore, #tpu.memory_space<semaphore_mem>>)
      %mul3A_220 = arith.constant 8 : i32
      %mul3A_221 = arith.muli %scan3A_115, %mul3A_220 : i32
      %add3A_222 = arith.constant 4 : i32
      %add3A_223 = arith.addi %mul3A_221, %add3A_222 : i32
      %add3A_224 = arith.constant 8 : i32
      %add3A_225 = arith.addi %add3A_223, %add3A_224 : i32
      %sub3A_226 = arith.constant 1 : i32
      %sub3A_227 = arith.subi %add3A_225, %sub3A_226 : i32
      %lt3A_228 = arith.constant 128 : i32
      %lt3A_229 = arith.cmpi slt, %sub3A_227, %lt3A_228 : i32
      %convert_element_type3A_230 = arith.extui %lt3A_229 : i1 to i32
      %cond3A_231 = arith.constant 0 : i32
      %cond3A_232 = arith.cmpi ne, %convert_element_type3A_230, %cond3A_231 : i32
      scf.if %cond3A_232 {
        %ge3A = arith.constant 1 : i32
        %ge3A_328 = arith.cmpi sge, %add3A_223, %ge3A : i32
        %convert_element_type3A_329 = arith.extui %ge3A_328 : i1 to i32
        %cond3A_330 = arith.constant 0 : i32
        %cond3A_331 = arith.cmpi ne, %convert_element_type3A_329, %cond3A_330 : i32
        scf.if %cond3A_331 {
          %dma_wait3A_342 = arith.constant 0 : i32
          %dma_wait3A_343 = arith.constant 0 : i32
          %dma_wait3A_344 = arith.constant 0 : i32
          %dma_wait3A_345 = tpu.memref_slice %arg4[%dma_wait3A_342, %dma_wait3A_343, %dma_wait3A_344] : memref<4096x200x64xf32, #tpu.memory_space<hbm>> -> memref<1x200x64xf32, #tpu.memory_space<hbm>>
          %dma_wait3A_346 = tpu.memref_squeeze %dma_wait3A_345 : memref<1x200x64xf32, #tpu.memory_space<hbm>> -> memref<200x64xf32, #tpu.memory_space<hbm>>
          %dma_wait3A_347 = arith.constant 0 : i32
          %dma_wait3A_348 = arith.constant 0 : i32
          %dma_wait3A_349 = tpu.memref_slice %arg4[%dma_wait3A_342, %dma_wait3A_347, %dma_wait3A_348] : memref<4096x200x64xf32, #tpu.memory_space<hbm>> -> memref<1x200x64xf32, #tpu.memory_space<hbm>>
          %dma_wait3A_350 = tpu.memref_squeeze %dma_wait3A_349 : memref<1x200x64xf32, #tpu.memory_space<hbm>> -> memref<200x64xf32, #tpu.memory_space<hbm>>
          tpu.wait_dma2 semaphore(%arg25 : memref<!tpu.dma_semaphore, #tpu.memory_space<semaphore_mem>>) src(%arg9 : memref<200x64xf32, #tpu.memory_space<vmem>>) dst(%dma_wait3A_350 : memref<200x64xf32, #tpu.memory_space<hbm>>)
        } else {
        }
        %add3A_332 = arith.constant 8 : i32
        %add3A_333 = arith.addi %add3A_223, %add3A_332 : i32
        %sub3A_334 = arith.constant 1 : i32
        %sub3A_335 = arith.subi %add3A_333, %sub3A_334 : i32
        %mul3A_336 = arith.constant 200 : i32
        %mul3A_337 = arith.muli %sub3A_335, %mul3A_336 : i32
        %dma_start3A_338 = tpu.memref_slice %arg5[%mul3A_337] : memref<25600xi32, #tpu.memory_space<vmem>> -> memref<200xi32, #tpu.memory_space<vmem>>
        %dma_start3A_339 = arith.constant 0 : i32
        %dma_start3A_340 = arith.constant 0 : i32
        %dma_start3A_341 = tpu.memref_slice %arg3[%dma_start3A_339, %dma_start3A_340] : memref<1000000x64xf32, #tpu.memory_space<hbm>> -> memref<1000000x64xf32, #tpu.memory_space<hbm>>
        tpu.enqueue_indirect_dma source(%dma_start3A_341 : memref<1000000x64xf32, #tpu.memory_space<hbm>>) target(%arg9 : memref<200x64xf32, #tpu.memory_space<vmem>>) offsets(%dma_start3A_338 : memref<200xi32, #tpu.memory_space<vmem>>) semaphore(%arg17 : memref<!tpu.dma_semaphore, #tpu.memory_space<semaphore_mem>>)
      } else {
      }
      %dma_wait3A_233 = arith.constant 0 : i32
      %dma_wait3A_234 = tpu.memref_slice %arg5[%dma_wait3A_233] : memref<25600xi32, #tpu.memory_space<vmem>> -> memref<200xi32, #tpu.memory_space<vmem>>
      %dma_wait3A_235 = arith.constant 0 : i32
      %dma_wait3A_236 = arith.constant 0 : i32
      %dma_wait3A_237 = tpu.memref_slice %arg3[%dma_wait3A_235, %dma_wait3A_236] : memref<1000000x64xf32, #tpu.memory_space<hbm>> -> memref<1000000x64xf32, #tpu.memory_space<hbm>>
      tpu.wait_indirect_dma semaphore(%arg18 : memref<!tpu.dma_semaphore, #tpu.memory_space<semaphore_mem>>) src(%dma_wait3A_237 : memref<1000000x64xf32, #tpu.memory_space<hbm>>) dst(%arg10 : memref<200x64xf32, #tpu.memory_space<vmem>>)
      %add3A_238 = arith.addi %mul3A_2, %add3A_223 : i32
      %dma_start3A_239 = arith.constant 0 : i32
      %dma_start3A_240 = arith.constant 0 : i32
      %dma_start3A_241 = tpu.memref_slice %arg4[%add3A_238, %dma_start3A_239, %dma_start3A_240] : memref<4096x200x64xf32, #tpu.memory_space<hbm>> -> memref<1x200x64xf32, #tpu.memory_space<hbm>>
      %dma_start3A_242 = tpu.memref_squeeze %dma_start3A_241 : memref<1x200x64xf32, #tpu.memory_space<hbm>> -> memref<200x64xf32, #tpu.memory_space<hbm>>
      %dma_start3A_243 = arith.constant 0 : i32
      %dma_start3A_244 = arith.constant 0 : i32
      %dma_start3A_245 = tpu.memref_slice %arg4[%add3A_238, %dma_start3A_243, %dma_start3A_244] : memref<4096x200x64xf32, #tpu.memory_space<hbm>> -> memref<1x200x64xf32, #tpu.memory_space<hbm>>
      %dma_start3A_246 = tpu.memref_squeeze %dma_start3A_245 : memref<1x200x64xf32, #tpu.memory_space<hbm>> -> memref<200x64xf32, #tpu.memory_space<hbm>>
      tpu.enqueue_dma source(%arg10 : memref<200x64xf32, #tpu.memory_space<vmem>>) target(%dma_start3A_246 : memref<200x64xf32, #tpu.memory_space<hbm>>) target_semaphore(%arg26 : memref<!tpu.dma_semaphore, #tpu.memory_space<semaphore_mem>>)
      %mul3A_247 = arith.constant 8 : i32
      %mul3A_248 = arith.muli %scan3A_115, %mul3A_247 : i32
      %add3A_249 = arith.constant 5 : i32
      %add3A_250 = arith.addi %mul3A_248, %add3A_249 : i32
      %add3A_251 = arith.constant 8 : i32
      %add3A_252 = arith.addi %add3A_250, %add3A_251 : i32
      %sub3A_253 = arith.constant 1 : i32
      %sub3A_254 = arith.subi %add3A_252, %sub3A_253 : i32
      %lt3A_255 = arith.constant 128 : i32
      %lt3A_256 = arith.cmpi slt, %sub3A_254, %lt3A_255 : i32
      %convert_element_type3A_257 = arith.extui %lt3A_256 : i1 to i32
      %cond3A_258 = arith.constant 0 : i32
      %cond3A_259 = arith.cmpi ne, %convert_element_type3A_257, %cond3A_258 : i32
      scf.if %cond3A_259 {
        %ge3A = arith.constant 1 : i32
        %ge3A_328 = arith.cmpi sge, %add3A_250, %ge3A : i32
        %convert_element_type3A_329 = arith.extui %ge3A_328 : i1 to i32
        %cond3A_330 = arith.constant 0 : i32
        %cond3A_331 = arith.cmpi ne, %convert_element_type3A_329, %cond3A_330 : i32
        scf.if %cond3A_331 {
          %dma_wait3A_342 = arith.constant 0 : i32
          %dma_wait3A_343 = arith.constant 0 : i32
          %dma_wait3A_344 = arith.constant 0 : i32
          %dma_wait3A_345 = tpu.memref_slice %arg4[%dma_wait3A_342, %dma_wait3A_343, %dma_wait3A_344] : memref<4096x200x64xf32, #tpu.memory_space<hbm>> -> memref<1x200x64xf32, #tpu.memory_space<hbm>>
          %dma_wait3A_346 = tpu.memref_squeeze %dma_wait3A_345 : memref<1x200x64xf32, #tpu.memory_space<hbm>> -> memref<200x64xf32, #tpu.memory_space<hbm>>
          %dma_wait3A_347 = arith.constant 0 : i32
          %dma_wait3A_348 = arith.constant 0 : i32
          %dma_wait3A_349 = tpu.memref_slice %arg4[%dma_wait3A_342, %dma_wait3A_347, %dma_wait3A_348] : memref<4096x200x64xf32, #tpu.memory_space<hbm>> -> memref<1x200x64xf32, #tpu.memory_space<hbm>>
          %dma_wait3A_350 = tpu.memref_squeeze %dma_wait3A_349 : memref<1x200x64xf32, #tpu.memory_space<hbm>> -> memref<200x64xf32, #tpu.memory_space<hbm>>
          tpu.wait_dma2 semaphore(%arg26 : memref<!tpu.dma_semaphore, #tpu.memory_space<semaphore_mem>>) src(%arg10 : memref<200x64xf32, #tpu.memory_space<vmem>>) dst(%dma_wait3A_350 : memref<200x64xf32, #tpu.memory_space<hbm>>)
        } else {
        }
        %add3A_332 = arith.constant 8 : i32
        %add3A_333 = arith.addi %add3A_250, %add3A_332 : i32
        %sub3A_334 = arith.constant 1 : i32
        %sub3A_335 = arith.subi %add3A_333, %sub3A_334 : i32
        %mul3A_336 = arith.constant 200 : i32
        %mul3A_337 = arith.muli %sub3A_335, %mul3A_336 : i32
        %dma_start3A_338 = tpu.memref_slice %arg5[%mul3A_337] : memref<25600xi32, #tpu.memory_space<vmem>> -> memref<200xi32, #tpu.memory_space<vmem>>
        %dma_start3A_339 = arith.constant 0 : i32
        %dma_start3A_340 = arith.constant 0 : i32
        %dma_start3A_341 = tpu.memref_slice %arg3[%dma_start3A_339, %dma_start3A_340] : memref<1000000x64xf32, #tpu.memory_space<hbm>> -> memref<1000000x64xf32, #tpu.memory_space<hbm>>
        tpu.enqueue_indirect_dma source(%dma_start3A_341 : memref<1000000x64xf32, #tpu.memory_space<hbm>>) target(%arg10 : memref<200x64xf32, #tpu.memory_space<vmem>>) offsets(%dma_start3A_338 : memref<200xi32, #tpu.memory_space<vmem>>) semaphore(%arg18 : memref<!tpu.dma_semaphore, #tpu.memory_space<semaphore_mem>>)
      } else {
      }
      %dma_wait3A_260 = arith.constant 0 : i32
      %dma_wait3A_261 = tpu.memref_slice %arg5[%dma_wait3A_260] : memref<25600xi32, #tpu.memory_space<vmem>> -> memref<200xi32, #tpu.memory_space<vmem>>
      %dma_wait3A_262 = arith.constant 0 : i32
      %dma_wait3A_263 = arith.constant 0 : i32
      %dma_wait3A_264 = tpu.memref_slice %arg3[%dma_wait3A_262, %dma_wait3A_263] : memref<1000000x64xf32, #tpu.memory_space<hbm>> -> memref<1000000x64xf32, #tpu.memory_space<hbm>>
      tpu.wait_indirect_dma semaphore(%arg19 : memref<!tpu.dma_semaphore, #tpu.memory_space<semaphore_mem>>) src(%dma_wait3A_264 : memref<1000000x64xf32, #tpu.memory_space<hbm>>) dst(%arg11 : memref<200x64xf32, #tpu.memory_space<vmem>>)
      %add3A_265 = arith.addi %mul3A_2, %add3A_250 : i32
      %dma_start3A_266 = arith.constant 0 : i32
      %dma_start3A_267 = arith.constant 0 : i32
      %dma_start3A_268 = tpu.memref_slice %arg4[%add3A_265, %dma_start3A_266, %dma_start3A_267] : memref<4096x200x64xf32, #tpu.memory_space<hbm>> -> memref<1x200x64xf32, #tpu.memory_space<hbm>>
      %dma_start3A_269 = tpu.memref_squeeze %dma_start3A_268 : memref<1x200x64xf32, #tpu.memory_space<hbm>> -> memref<200x64xf32, #tpu.memory_space<hbm>>
      %dma_start3A_270 = arith.constant 0 : i32
      %dma_start3A_271 = arith.constant 0 : i32
      %dma_start3A_272 = tpu.memref_slice %arg4[%add3A_265, %dma_start3A_270, %dma_start3A_271] : memref<4096x200x64xf32, #tpu.memory_space<hbm>> -> memref<1x200x64xf32, #tpu.memory_space<hbm>>
      %dma_start3A_273 = tpu.memref_squeeze %dma_start3A_272 : memref<1x200x64xf32, #tpu.memory_space<hbm>> -> memref<200x64xf32, #tpu.memory_space<hbm>>
      tpu.enqueue_dma source(%arg11 : memref<200x64xf32, #tpu.memory_space<vmem>>) target(%dma_start3A_273 : memref<200x64xf32, #tpu.memory_space<hbm>>) target_semaphore(%arg27 : memref<!tpu.dma_semaphore, #tpu.memory_space<semaphore_mem>>)
      %mul3A_274 = arith.constant 8 : i32
      %mul3A_275 = arith.muli %scan3A_115, %mul3A_274 : i32
      %add3A_276 = arith.constant 6 : i32
      %add3A_277 = arith.addi %mul3A_275, %add3A_276 : i32
      %add3A_278 = arith.constant 8 : i32
      %add3A_279 = arith.addi %add3A_277, %add3A_278 : i32
      %sub3A_280 = arith.constant 1 : i32
      %sub3A_281 = arith.subi %add3A_279, %sub3A_280 : i32
      %lt3A_282 = arith.constant 128 : i32
      %lt3A_283 = arith.cmpi slt, %sub3A_281, %lt3A_282 : i32
      %convert_element_type3A_284 = arith.extui %lt3A_283 : i1 to i32
      %cond3A_285 = arith.constant 0 : i32
      %cond3A_286 = arith.cmpi ne, %convert_element_type3A_284, %cond3A_285 : i32
      scf.if %cond3A_286 {
        %ge3A = arith.constant 1 : i32
        %ge3A_328 = arith.cmpi sge, %add3A_277, %ge3A : i32
        %convert_element_type3A_329 = arith.extui %ge3A_328 : i1 to i32
        %cond3A_330 = arith.constant 0 : i32
        %cond3A_331 = arith.cmpi ne, %convert_element_type3A_329, %cond3A_330 : i32
        scf.if %cond3A_331 {
          %dma_wait3A_342 = arith.constant 0 : i32
          %dma_wait3A_343 = arith.constant 0 : i32
          %dma_wait3A_344 = arith.constant 0 : i32
          %dma_wait3A_345 = tpu.memref_slice %arg4[%dma_wait3A_342, %dma_wait3A_343, %dma_wait3A_344] : memref<4096x200x64xf32, #tpu.memory_space<hbm>> -> memref<1x200x64xf32, #tpu.memory_space<hbm>>
          %dma_wait3A_346 = tpu.memref_squeeze %dma_wait3A_345 : memref<1x200x64xf32, #tpu.memory_space<hbm>> -> memref<200x64xf32, #tpu.memory_space<hbm>>
          %dma_wait3A_347 = arith.constant 0 : i32
          %dma_wait3A_348 = arith.constant 0 : i32
          %dma_wait3A_349 = tpu.memref_slice %arg4[%dma_wait3A_342, %dma_wait3A_347, %dma_wait3A_348] : memref<4096x200x64xf32, #tpu.memory_space<hbm>> -> memref<1x200x64xf32, #tpu.memory_space<hbm>>
          %dma_wait3A_350 = tpu.memref_squeeze %dma_wait3A_349 : memref<1x200x64xf32, #tpu.memory_space<hbm>> -> memref<200x64xf32, #tpu.memory_space<hbm>>
          tpu.wait_dma2 semaphore(%arg27 : memref<!tpu.dma_semaphore, #tpu.memory_space<semaphore_mem>>) src(%arg11 : memref<200x64xf32, #tpu.memory_space<vmem>>) dst(%dma_wait3A_350 : memref<200x64xf32, #tpu.memory_space<hbm>>)
        } else {
        }
        %add3A_332 = arith.constant 8 : i32
        %add3A_333 = arith.addi %add3A_277, %add3A_332 : i32
        %sub3A_334 = arith.constant 1 : i32
        %sub3A_335 = arith.subi %add3A_333, %sub3A_334 : i32
        %mul3A_336 = arith.constant 200 : i32
        %mul3A_337 = arith.muli %sub3A_335, %mul3A_336 : i32
        %dma_start3A_338 = tpu.memref_slice %arg5[%mul3A_337] : memref<25600xi32, #tpu.memory_space<vmem>> -> memref<200xi32, #tpu.memory_space<vmem>>
        %dma_start3A_339 = arith.constant 0 : i32
        %dma_start3A_340 = arith.constant 0 : i32
        %dma_start3A_341 = tpu.memref_slice %arg3[%dma_start3A_339, %dma_start3A_340] : memref<1000000x64xf32, #tpu.memory_space<hbm>> -> memref<1000000x64xf32, #tpu.memory_space<hbm>>
        tpu.enqueue_indirect_dma source(%dma_start3A_341 : memref<1000000x64xf32, #tpu.memory_space<hbm>>) target(%arg11 : memref<200x64xf32, #tpu.memory_space<vmem>>) offsets(%dma_start3A_338 : memref<200xi32, #tpu.memory_space<vmem>>) semaphore(%arg19 : memref<!tpu.dma_semaphore, #tpu.memory_space<semaphore_mem>>)
      } else {
      }
      %dma_wait3A_287 = arith.constant 0 : i32
      %dma_wait3A_288 = tpu.memref_slice %arg5[%dma_wait3A_287] : memref<25600xi32, #tpu.memory_space<vmem>> -> memref<200xi32, #tpu.memory_space<vmem>>
      %dma_wait3A_289 = arith.constant 0 : i32
      %dma_wait3A_290 = arith.constant 0 : i32
      %dma_wait3A_291 = tpu.memref_slice %arg3[%dma_wait3A_289, %dma_wait3A_290] : memref<1000000x64xf32, #tpu.memory_space<hbm>> -> memref<1000000x64xf32, #tpu.memory_space<hbm>>
      tpu.wait_indirect_dma semaphore(%arg20 : memref<!tpu.dma_semaphore, #tpu.memory_space<semaphore_mem>>) src(%dma_wait3A_291 : memref<1000000x64xf32, #tpu.memory_space<hbm>>) dst(%arg12 : memref<200x64xf32, #tpu.memory_space<vmem>>)
      %add3A_292 = arith.addi %mul3A_2, %add3A_277 : i32
      %dma_start3A_293 = arith.constant 0 : i32
      %dma_start3A_294 = arith.constant 0 : i32
      %dma_start3A_295 = tpu.memref_slice %arg4[%add3A_292, %dma_start3A_293, %dma_start3A_294] : memref<4096x200x64xf32, #tpu.memory_space<hbm>> -> memref<1x200x64xf32, #tpu.memory_space<hbm>>
      %dma_start3A_296 = tpu.memref_squeeze %dma_start3A_295 : memref<1x200x64xf32, #tpu.memory_space<hbm>> -> memref<200x64xf32, #tpu.memory_space<hbm>>
      %dma_start3A_297 = arith.constant 0 : i32
      %dma_start3A_298 = arith.constant 0 : i32
      %dma_start3A_299 = tpu.memref_slice %arg4[%add3A_292, %dma_start3A_297, %dma_start3A_298] : memref<4096x200x64xf32, #tpu.memory_space<hbm>> -> memref<1x200x64xf32, #tpu.memory_space<hbm>>
      %dma_start3A_300 = tpu.memref_squeeze %dma_start3A_299 : memref<1x200x64xf32, #tpu.memory_space<hbm>> -> memref<200x64xf32, #tpu.memory_space<hbm>>
      tpu.enqueue_dma source(%arg12 : memref<200x64xf32, #tpu.memory_space<vmem>>) target(%dma_start3A_300 : memref<200x64xf32, #tpu.memory_space<hbm>>) target_semaphore(%arg28 : memref<!tpu.dma_semaphore, #tpu.memory_space<semaphore_mem>>)
      %mul3A_301 = arith.constant 8 : i32
      %mul3A_302 = arith.muli %scan3A_115, %mul3A_301 : i32
      %add3A_303 = arith.constant 7 : i32
      %add3A_304 = arith.addi %mul3A_302, %add3A_303 : i32
      %add3A_305 = arith.constant 8 : i32
      %add3A_306 = arith.addi %add3A_304, %add3A_305 : i32
      %sub3A_307 = arith.constant 1 : i32
      %sub3A_308 = arith.subi %add3A_306, %sub3A_307 : i32
      %lt3A_309 = arith.constant 128 : i32
      %lt3A_310 = arith.cmpi slt, %sub3A_308, %lt3A_309 : i32
      %convert_element_type3A_311 = arith.extui %lt3A_310 : i1 to i32
      %cond3A_312 = arith.constant 0 : i32
      %cond3A_313 = arith.cmpi ne, %convert_element_type3A_311, %cond3A_312 : i32
      scf.if %cond3A_313 {
        %ge3A = arith.constant 1 : i32
        %ge3A_328 = arith.cmpi sge, %add3A_304, %ge3A : i32
        %convert_element_type3A_329 = arith.extui %ge3A_328 : i1 to i32
        %cond3A_330 = arith.constant 0 : i32
        %cond3A_331 = arith.cmpi ne, %convert_element_type3A_329, %cond3A_330 : i32
        scf.if %cond3A_331 {
          %dma_wait3A_342 = arith.constant 0 : i32
          %dma_wait3A_343 = arith.constant 0 : i32
          %dma_wait3A_344 = arith.constant 0 : i32
          %dma_wait3A_345 = tpu.memref_slice %arg4[%dma_wait3A_342, %dma_wait3A_343, %dma_wait3A_344] : memref<4096x200x64xf32, #tpu.memory_space<hbm>> -> memref<1x200x64xf32, #tpu.memory_space<hbm>>
          %dma_wait3A_346 = tpu.memref_squeeze %dma_wait3A_345 : memref<1x200x64xf32, #tpu.memory_space<hbm>> -> memref<200x64xf32, #tpu.memory_space<hbm>>
          %dma_wait3A_347 = arith.constant 0 : i32
          %dma_wait3A_348 = arith.constant 0 : i32
          %dma_wait3A_349 = tpu.memref_slice %arg4[%dma_wait3A_342, %dma_wait3A_347, %dma_wait3A_348] : memref<4096x200x64xf32, #tpu.memory_space<hbm>> -> memref<1x200x64xf32, #tpu.memory_space<hbm>>
          %dma_wait3A_350 = tpu.memref_squeeze %dma_wait3A_349 : memref<1x200x64xf32, #tpu.memory_space<hbm>> -> memref<200x64xf32, #tpu.memory_space<hbm>>
          tpu.wait_dma2 semaphore(%arg28 : memref<!tpu.dma_semaphore, #tpu.memory_space<semaphore_mem>>) src(%arg12 : memref<200x64xf32, #tpu.memory_space<vmem>>) dst(%dma_wait3A_350 : memref<200x64xf32, #tpu.memory_space<hbm>>)
        } else {
        }
        %add3A_332 = arith.constant 8 : i32
        %add3A_333 = arith.addi %add3A_304, %add3A_332 : i32
        %sub3A_334 = arith.constant 1 : i32
        %sub3A_335 = arith.subi %add3A_333, %sub3A_334 : i32
        %mul3A_336 = arith.constant 200 : i32
        %mul3A_337 = arith.muli %sub3A_335, %mul3A_336 : i32
        %dma_start3A_338 = tpu.memref_slice %arg5[%mul3A_337] : memref<25600xi32, #tpu.memory_space<vmem>> -> memref<200xi32, #tpu.memory_space<vmem>>
        %dma_start3A_339 = arith.constant 0 : i32
        %dma_start3A_340 = arith.constant 0 : i32
        %dma_start3A_341 = tpu.memref_slice %arg3[%dma_start3A_339, %dma_start3A_340] : memref<1000000x64xf32, #tpu.memory_space<hbm>> -> memref<1000000x64xf32, #tpu.memory_space<hbm>>
        tpu.enqueue_indirect_dma source(%dma_start3A_341 : memref<1000000x64xf32, #tpu.memory_space<hbm>>) target(%arg12 : memref<200x64xf32, #tpu.memory_space<vmem>>) offsets(%dma_start3A_338 : memref<200xi32, #tpu.memory_space<vmem>>) semaphore(%arg20 : memref<!tpu.dma_semaphore, #tpu.memory_space<semaphore_mem>>)
      } else {
      }
      %dma_wait3A_314 = arith.constant 0 : i32
      %dma_wait3A_315 = tpu.memref_slice %arg5[%dma_wait3A_314] : memref<25600xi32, #tpu.memory_space<vmem>> -> memref<200xi32, #tpu.memory_space<vmem>>
      %dma_wait3A_316 = arith.constant 0 : i32
      %dma_wait3A_317 = arith.constant 0 : i32
      %dma_wait3A_318 = tpu.memref_slice %arg3[%dma_wait3A_316, %dma_wait3A_317] : memref<1000000x64xf32, #tpu.memory_space<hbm>> -> memref<1000000x64xf32, #tpu.memory_space<hbm>>
      tpu.wait_indirect_dma semaphore(%arg21 : memref<!tpu.dma_semaphore, #tpu.memory_space<semaphore_mem>>) src(%dma_wait3A_318 : memref<1000000x64xf32, #tpu.memory_space<hbm>>) dst(%arg13 : memref<200x64xf32, #tpu.memory_space<vmem>>)
      %add3A_319 = arith.addi %mul3A_2, %add3A_304 : i32
      %dma_start3A_320 = arith.constant 0 : i32
      %dma_start3A_321 = arith.constant 0 : i32
      %dma_start3A_322 = tpu.memref_slice %arg4[%add3A_319, %dma_start3A_320, %dma_start3A_321] : memref<4096x200x64xf32, #tpu.memory_space<hbm>> -> memref<1x200x64xf32, #tpu.memory_space<hbm>>
      %dma_start3A_323 = tpu.memref_squeeze %dma_start3A_322 : memref<1x200x64xf32, #tpu.memory_space<hbm>> -> memref<200x64xf32, #tpu.memory_space<hbm>>
      %dma_start3A_324 = arith.constant 0 : i32
      %dma_start3A_325 = arith.constant 0 : i32
      %dma_start3A_326 = tpu.memref_slice %arg4[%add3A_319, %dma_start3A_324, %dma_start3A_325] : memref<4096x200x64xf32, #tpu.memory_space<hbm>> -> memref<1x200x64xf32, #tpu.memory_space<hbm>>
      %dma_start3A_327 = tpu.memref_squeeze %dma_start3A_326 : memref<1x200x64xf32, #tpu.memory_space<hbm>> -> memref<200x64xf32, #tpu.memory_space<hbm>>
      tpu.enqueue_dma source(%arg13 : memref<200x64xf32, #tpu.memory_space<vmem>>) target(%dma_start3A_327 : memref<200x64xf32, #tpu.memory_space<hbm>>) target_semaphore(%arg29 : memref<!tpu.dma_semaphore, #tpu.memory_space<semaphore_mem>>)
    }
    %scan3A_43 = arith.constant 16 : i32
    %dma_wait3A = arith.constant 0 : i32
    %dma_wait3A_44 = arith.constant 0 : i32
    %dma_wait3A_45 = arith.constant 0 : i32
    %dma_wait3A_46 = tpu.memref_slice %arg4[%dma_wait3A, %dma_wait3A_44, %dma_wait3A_45] : memref<4096x200x64xf32, #tpu.memory_space<hbm>> -> memref<1x200x64xf32, #tpu.memory_space<hbm>>
    %dma_wait3A_47 = tpu.memref_squeeze %dma_wait3A_46 : memref<1x200x64xf32, #tpu.memory_space<hbm>> -> memref<200x64xf32, #tpu.memory_space<hbm>>
    %dma_wait3A_48 = arith.constant 0 : i32
    %dma_wait3A_49 = arith.constant 0 : i32
    %dma_wait3A_50 = tpu.memref_slice %arg4[%dma_wait3A, %dma_wait3A_48, %dma_wait3A_49] : memref<4096x200x64xf32, #tpu.memory_space<hbm>> -> memref<1x200x64xf32, #tpu.memory_space<hbm>>
    %dma_wait3A_51 = tpu.memref_squeeze %dma_wait3A_50 : memref<1x200x64xf32, #tpu.memory_space<hbm>> -> memref<200x64xf32, #tpu.memory_space<hbm>>
    tpu.wait_dma2 semaphore(%arg22 : memref<!tpu.dma_semaphore, #tpu.memory_space<semaphore_mem>>) src(%arg6 : memref<200x64xf32, #tpu.memory_space<vmem>>) dst(%dma_wait3A_51 : memref<200x64xf32, #tpu.memory_space<hbm>>)
    %dma_wait3A_52 = arith.constant 0 : i32
    %dma_wait3A_53 = arith.constant 0 : i32
    %dma_wait3A_54 = arith.constant 0 : i32
    %dma_wait3A_55 = tpu.memref_slice %arg4[%dma_wait3A_52, %dma_wait3A_53, %dma_wait3A_54] : memref<4096x200x64xf32, #tpu.memory_space<hbm>> -> memref<1x200x64xf32, #tpu.memory_space<hbm>>
    %dma_wait3A_56 = tpu.memref_squeeze %dma_wait3A_55 : memref<1x200x64xf32, #tpu.memory_space<hbm>> -> memref<200x64xf32, #tpu.memory_space<hbm>>
    %dma_wait3A_57 = arith.constant 0 : i32
    %dma_wait3A_58 = arith.constant 0 : i32
    %dma_wait3A_59 = tpu.memref_slice %arg4[%dma_wait3A_52, %dma_wait3A_57, %dma_wait3A_58] : memref<4096x200x64xf32, #tpu.memory_space<hbm>> -> memref<1x200x64xf32, #tpu.memory_space<hbm>>
    %dma_wait3A_60 = tpu.memref_squeeze %dma_wait3A_59 : memref<1x200x64xf32, #tpu.memory_space<hbm>> -> memref<200x64xf32, #tpu.memory_space<hbm>>
    tpu.wait_dma2 semaphore(%arg23 : memref<!tpu.dma_semaphore, #tpu.memory_space<semaphore_mem>>) src(%arg7 : memref<200x64xf32, #tpu.memory_space<vmem>>) dst(%dma_wait3A_60 : memref<200x64xf32, #tpu.memory_space<hbm>>)
    %dma_wait3A_61 = arith.constant 0 : i32
    %dma_wait3A_62 = arith.constant 0 : i32
    %dma_wait3A_63 = arith.constant 0 : i32
    %dma_wait3A_64 = tpu.memref_slice %arg4[%dma_wait3A_61, %dma_wait3A_62, %dma_wait3A_63] : memref<4096x200x64xf32, #tpu.memory_space<hbm>> -> memref<1x200x64xf32, #tpu.memory_space<hbm>>
    %dma_wait3A_65 = tpu.memref_squeeze %dma_wait3A_64 : memref<1x200x64xf32, #tpu.memory_space<hbm>> -> memref<200x64xf32, #tpu.memory_space<hbm>>
    %dma_wait3A_66 = arith.constant 0 : i32
    %dma_wait3A_67 = arith.constant 0 : i32
    %dma_wait3A_68 = tpu.memref_slice %arg4[%dma_wait3A_61, %dma_wait3A_66, %dma_wait3A_67] : memref<4096x200x64xf32, #tpu.memory_space<hbm>> -> memref<1x200x64xf32, #tpu.memory_space<hbm>>
    %dma_wait3A_69 = tpu.memref_squeeze %dma_wait3A_68 : memref<1x200x64xf32, #tpu.memory_space<hbm>> -> memref<200x64xf32, #tpu.memory_space<hbm>>
    tpu.wait_dma2 semaphore(%arg24 : memref<!tpu.dma_semaphore, #tpu.memory_space<semaphore_mem>>) src(%arg8 : memref<200x64xf32, #tpu.memory_space<vmem>>) dst(%dma_wait3A_69 : memref<200x64xf32, #tpu.memory_space<hbm>>)
    %dma_wait3A_70 = arith.constant 0 : i32
    %dma_wait3A_71 = arith.constant 0 : i32
    %dma_wait3A_72 = arith.constant 0 : i32
    %dma_wait3A_73 = tpu.memref_slice %arg4[%dma_wait3A_70, %dma_wait3A_71, %dma_wait3A_72] : memref<4096x200x64xf32, #tpu.memory_space<hbm>> -> memref<1x200x64xf32, #tpu.memory_space<hbm>>
    %dma_wait3A_74 = tpu.memref_squeeze %dma_wait3A_73 : memref<1x200x64xf32, #tpu.memory_space<hbm>> -> memref<200x64xf32, #tpu.memory_space<hbm>>
    %dma_wait3A_75 = arith.constant 0 : i32
    %dma_wait3A_76 = arith.constant 0 : i32
    %dma_wait3A_77 = tpu.memref_slice %arg4[%dma_wait3A_70, %dma_wait3A_75, %dma_wait3A_76] : memref<4096x200x64xf32, #tpu.memory_space<hbm>> -> memref<1x200x64xf32, #tpu.memory_space<hbm>>
    %dma_wait3A_78 = tpu.memref_squeeze %dma_wait3A_77 : memref<1x200x64xf32, #tpu.memory_space<hbm>> -> memref<200x64xf32, #tpu.memory_space<hbm>>
    tpu.wait_dma2 semaphore(%arg25 : memref<!tpu.dma_semaphore, #tpu.memory_space<semaphore_mem>>) src(%arg9 : memref<200x64xf32, #tpu.memory_space<vmem>>) dst(%dma_wait3A_78 : memref<200x64xf32, #tpu.memory_space<hbm>>)
    %dma_wait3A_79 = arith.constant 0 : i32
    %dma_wait3A_80 = arith.constant 0 : i32
    %dma_wait3A_81 = arith.constant 0 : i32
    %dma_wait3A_82 = tpu.memref_slice %arg4[%dma_wait3A_79, %dma_wait3A_80, %dma_wait3A_81] : memref<4096x200x64xf32, #tpu.memory_space<hbm>> -> memref<1x200x64xf32, #tpu.memory_space<hbm>>
    %dma_wait3A_83 = tpu.memref_squeeze %dma_wait3A_82 : memref<1x200x64xf32, #tpu.memory_space<hbm>> -> memref<200x64xf32, #tpu.memory_space<hbm>>
    %dma_wait3A_84 = arith.constant 0 : i32
    %dma_wait3A_85 = arith.constant 0 : i32
    %dma_wait3A_86 = tpu.memref_slice %arg4[%dma_wait3A_79, %dma_wait3A_84, %dma_wait3A_85] : memref<4096x200x64xf32, #tpu.memory_space<hbm>> -> memref<1x200x64xf32, #tpu.memory_space<hbm>>
    %dma_wait3A_87 = tpu.memref_squeeze %dma_wait3A_86 : memref<1x200x64xf32, #tpu.memory_space<hbm>> -> memref<200x64xf32, #tpu.memory_space<hbm>>
    tpu.wait_dma2 semaphore(%arg26 : memref<!tpu.dma_semaphore, #tpu.memory_space<semaphore_mem>>) src(%arg10 : memref<200x64xf32, #tpu.memory_space<vmem>>) dst(%dma_wait3A_87 : memref<200x64xf32, #tpu.memory_space<hbm>>)
    %dma_wait3A_88 = arith.constant 0 : i32
    %dma_wait3A_89 = arith.constant 0 : i32
    %dma_wait3A_90 = arith.constant 0 : i32
    %dma_wait3A_91 = tpu.memref_slice %arg4[%dma_wait3A_88, %dma_wait3A_89, %dma_wait3A_90] : memref<4096x200x64xf32, #tpu.memory_space<hbm>> -> memref<1x200x64xf32, #tpu.memory_space<hbm>>
    %dma_wait3A_92 = tpu.memref_squeeze %dma_wait3A_91 : memref<1x200x64xf32, #tpu.memory_space<hbm>> -> memref<200x64xf32, #tpu.memory_space<hbm>>
    %dma_wait3A_93 = arith.constant 0 : i32
    %dma_wait3A_94 = arith.constant 0 : i32
    %dma_wait3A_95 = tpu.memref_slice %arg4[%dma_wait3A_88, %dma_wait3A_93, %dma_wait3A_94] : memref<4096x200x64xf32, #tpu.memory_space<hbm>> -> memref<1x200x64xf32, #tpu.memory_space<hbm>>
    %dma_wait3A_96 = tpu.memref_squeeze %dma_wait3A_95 : memref<1x200x64xf32, #tpu.memory_space<hbm>> -> memref<200x64xf32, #tpu.memory_space<hbm>>
    tpu.wait_dma2 semaphore(%arg27 : memref<!tpu.dma_semaphore, #tpu.memory_space<semaphore_mem>>) src(%arg11 : memref<200x64xf32, #tpu.memory_space<vmem>>) dst(%dma_wait3A_96 : memref<200x64xf32, #tpu.memory_space<hbm>>)
    %dma_wait3A_97 = arith.constant 0 : i32
    %dma_wait3A_98 = arith.constant 0 : i32
    %dma_wait3A_99 = arith.constant 0 : i32
    %dma_wait3A_100 = tpu.memref_slice %arg4[%dma_wait3A_97, %dma_wait3A_98, %dma_wait3A_99] : memref<4096x200x64xf32, #tpu.memory_space<hbm>> -> memref<1x200x64xf32, #tpu.memory_space<hbm>>
    %dma_wait3A_101 = tpu.memref_squeeze %dma_wait3A_100 : memref<1x200x64xf32, #tpu.memory_space<hbm>> -> memref<200x64xf32, #tpu.memory_space<hbm>>
    %dma_wait3A_102 = arith.constant 0 : i32
    %dma_wait3A_103 = arith.constant 0 : i32
    %dma_wait3A_104 = tpu.memref_slice %arg4[%dma_wait3A_97, %dma_wait3A_102, %dma_wait3A_103] : memref<4096x200x64xf32, #tpu.memory_space<hbm>> -> memref<1x200x64xf32, #tpu.memory_space<hbm>>
    %dma_wait3A_105 = tpu.memref_squeeze %dma_wait3A_104 : memref<1x200x64xf32, #tpu.memory_space<hbm>> -> memref<200x64xf32, #tpu.memory_space<hbm>>
    tpu.wait_dma2 semaphore(%arg28 : memref<!tpu.dma_semaphore, #tpu.memory_space<semaphore_mem>>) src(%arg12 : memref<200x64xf32, #tpu.memory_space<vmem>>) dst(%dma_wait3A_105 : memref<200x64xf32, #tpu.memory_space<hbm>>)
    %dma_wait3A_106 = arith.constant 0 : i32
    %dma_wait3A_107 = arith.constant 0 : i32
    %dma_wait3A_108 = arith.constant 0 : i32
    %dma_wait3A_109 = tpu.memref_slice %arg4[%dma_wait3A_106, %dma_wait3A_107, %dma_wait3A_108] : memref<4096x200x64xf32, #tpu.memory_space<hbm>> -> memref<1x200x64xf32, #tpu.memory_space<hbm>>
    %dma_wait3A_110 = tpu.memref_squeeze %dma_wait3A_109 : memref<1x200x64xf32, #tpu.memory_space<hbm>> -> memref<200x64xf32, #tpu.memory_space<hbm>>
    %dma_wait3A_111 = arith.constant 0 : i32
    %dma_wait3A_112 = arith.constant 0 : i32
    %dma_wait3A_113 = tpu.memref_slice %arg4[%dma_wait3A_106, %dma_wait3A_111, %dma_wait3A_112] : memref<4096x200x64xf32, #tpu.memory_space<hbm>> -> memref<1x200x64xf32, #tpu.memory_space<hbm>>
    %dma_wait3A_114 = tpu.memref_squeeze %dma_wait3A_113 : memref<1x200x64xf32, #tpu.memory_space<hbm>> -> memref<200x64xf32, #tpu.memory_space<hbm>>
    tpu.wait_dma2 semaphore(%arg29 : memref<!tpu.dma_semaphore, #tpu.memory_space<semaphore_mem>>) src(%arg13 : memref<200x64xf32, #tpu.memory_space<vmem>>) dst(%dma_wait3A_114 : memref<200x64xf32, #tpu.memory_space<hbm>>)
    return
  }
}

</mosaic_0001>

<sc_bundles>
// kernel: kernel.3.cloned.1.call-start
scs
__scs_entry_jumppad:
0x0: {  	(pc) =	sbr.rel $0x88, $3  }
0x1: {  	(tag) =	ssettag $0x0;
	lr =	simm.s32 $0x1  }
0x2: {  	[smem:$0x3F9F] =	sst lr;
	_ =	strace $0xD0000000  }
0x3: {  	_ = 	snop  }
0x4: {  	_ = 	snop  }
0x5: {  	_ = 	snop  }
0x6: {  	_ = 	snop  }
0x7: {  	_ = 	snop  }
__scs_overlays_trampoline_lowered:
0x8: {  	[smem:$0x3FAE] =	sst s0  }
0x9: {  	[smem:$0x3FAF] =	sst s1  }
0xa: {  	[smem:$0x3FB0] =	sst s2  }
0xb: {  	[smem:$0x3FB1] =	sst s3  }
0xc: {  	[smem:$0x3FB2] =	sst s4  }
0xd: {  	[smem:$0x3FB3] =	sst s5  }
0xe: {  	[smem:$0x3FB4] =	sst s6  }
0xf: {  	[smem:$0x3FB5] =	sst s7  }
0x10: {  	[smem:$0x3FB6] =	sst s8  }
0x11: {  	[smem:$0x3FB7] =	sst s9;
	s0 =	simm.s32 @!p0 $0x0  }
0x12: {  	s1 =	sld [smem:$0x3F9D];
	s0 =	simm.s32 @p0 $0x1  }
0x13: {  	[smem:$0x3FB8] =	sst s0;
	s0 =	simm.s32 @!p1 $0x0  }
0x14: {  	s2 =	sld [smem:$0x3F9C];
	s0 =	simm.s32 @p1 $0x1  }
0x15: {  	[smem:$0x3FB9] =	sst s0;
	s0 =	simm.s32 @!p2 $0x0  }
0x16: {  	s3 =	sld [smem:$0x3FDB];
	s0 =	simm.s32 @p2 $0x1  }
0x17: {  	s4 =	simm.s32 $0x1BF5;
	[smem:$0x3FBB] =	sst s0  }
0x18: {  	s0 =	sld [smem:$0x3F9E];
	_ =	swait.ge [sflag:s4], $0x0  }
0x19: {  	s7 =	sld [smem:$0x3F9F]  }
0x1a: {  	s8 =	sadd.s32 $0xFFFFE003, lr  }
0x1b: {  	s9 =	sadd.s32 $0xFFFFFEF7, lr;
	s5 =	simm.s32 $0xFFFFFFFF;
	p2 =	slt.u32 s8, $0xFFFFF086  }
0x1c: {  	p1 =	slt.u32 s9, $0xF7A;
	s5 =	simm.s32 @!p2 $0x0  }
0x1d: {  	s5 =	simm.s32 @p1 $0x1;
	p0 =	seq.s32 s7, s2  }
0x1e: {  	s7 =	smul.u32 @!p0 $0xF7A, s2;
	p2 =	seq.s32 @!p0 s5, $0x0  }
0x1f: {  	s9 =	smul.u32 $0xF7A, s1;
	s8 =	simm.s32 @!p0 $0x1BF5;
	p2 =	por !p2, p0  }
0x20: {  	[sflag:s8] =	ssyncset.s32 @!p0 $0xFFFFF086;
	s6 =	sadd.s32 @!p0 s3, s7;
	s7 =	simm.s32 @!p0 $0x108  }
0x21: {  	s3 =	sadd.s32 s3, s9;
	s6 =	sadd.s32 @!p0 $0x88, s6;
	s7 =	simm.s32 @p2 $0x1082  }
0x22: {  	[simem:s7], [sflag:s8] =	dma.local @!p0 [hbm:s6], $0xF7A  }
0x23: {  	s9 =	sor.u32 $0xD0000000, s2;
	s6 =	simm.s32 $0x108;
	_ =	swait.ge @!p0 [sflag:s8], $0x0  }
0x24: {  	s3 =	sadd.s32 $0x88, s3;
	s6 =	simm.s32 @!p1 $0x1082;
	[sflag:s4] =	ssyncset.s32 $0xFFFFF086  }
0x25: {  	[simem:s6], [sflag:s4] =	dma.local [hbm:s3], $0xF7A  }
0x26: {  	[smem:$0x3F9F] =	sst s1;
	(tag) =	ssettag s2;
	_ =	strace s9  }
0x27: {  	s1 =	sld [smem:$0x3FAF]  }
0x28: {  	s2 =	sld [smem:$0x3FB0]  }
0x29: {  	s4 =	sld [smem:$0x3FB2]  }
0x2a: {  	p0 =	seq.s32 s5, $0x0;
	s5 =	sld [smem:$0x3FB3]  }
0x2b: {  	s6 =	sld [smem:$0x3FB4]  }
0x2c: {  	s7 =	sld [smem:$0x3FB5]  }
0x2d: {  	s3 =	simm.s32 $0x108;
	s8 =	sld [smem:$0x3FB6]  }
0x2e: {  	s3 =	simm.s32 @!p0 $0x1082;
	s9 =	sld [smem:$0x3FB7]  }
0x2f: {  	lr =	sadd.s32 s0, s3;
	s0 =	sld [smem:$0x3FAE]  }
0x30: {  	s3 =	sld [smem:$0x3FB1]  }
0x31: {  	[smem:$0x3FBA] =	sst s10  }
0x32: {  	s10 =	sld [smem:$0x3FB8];
	_ =	sdelay $0x3  }
0x33: {  	p0 =	seq.s32 s10, $0x1;
	s10 =	sld [smem:$0x3FBA];
	_ =	sdelay $0x3  }
0x34: {  	[smem:$0x3FBA] =	sst s10  }
0x35: {  	s10 =	sld [smem:$0x3FB9];
	_ =	sdelay $0x3  }
0x36: {  	p1 =	seq.s32 s10, $0x1;
	s10 =	sld [smem:$0x3FBA];
	_ =	sdelay $0x3  }
0x37: {  	[smem:$0x3FBA] =	sst s10  }
0x38: {  	s10 =	sld [smem:$0x3FBB]  }
0x39: {  	_ = 	snop;
	(pc) =	sbr.ind lr, $3  }
0x3a: {  	_ = 	snop  }
0x3b: {  	_ = 	snop  }
0x3c: {  	p2 =	seq.s32 s10, $0x1;
	s10 =	sld [smem:$0x3FBA]  }
0x3d: {  	_ =	shalt  }
0x3e: {  	_ =	shalt  }
0x3f: {  	_ =	shalt  }
0x40: {  	_ =	shalt  }
0x41: {  	_ =	shalt  }
0x42: {  	_ =	shalt  }
0x43: {  	_ =	shalt  }
0x44: {  	_ =	shalt  }
0x45: {  	_ =	shalt  }
0x46: {  	_ =	shalt  }
0x47: {  	_ =	shalt  }
0x48: {  	_ =	shalt  }
0x49: {  	_ =	shalt  }
0x4a: {  	_ =	shalt  }
0x4b: {  	_ =	shalt  }
0x4c: {  	_ =	shalt  }
0x4d: {  	_ =	shalt  }
0x4e: {  	_ =	shalt  }
0x4f: {  	_ =	shalt  }
0x50: {  	_ =	shalt  }
0x51: {  	_ =	shalt  }
0x52: {  	_ =	shalt  }
0x53: {  	_ =	shalt  }
0x54: {  	_ =	shalt  }
0x55: {  	_ =	shalt  }
0x56: {  	_ =	shalt  }
0x57: {  	_ =	shalt  }
0x58: {  	_ =	shalt  }
0x59: {  	_ =	shalt  }
0x5a: {  	_ =	shalt  }
0x5b: {  	_ =	shalt  }
0x5c: {  	_ =	shalt  }
0x5d: {  	_ =	shalt  }
0x5e: {  	_ =	shalt  }
0x5f: {  	_ =	shalt  }
0x60: {  	_ =	shalt  }
0x61: {  	_ =	shalt  }
0x62: {  	_ =	shalt  }
0x63: {  	_ =	shalt  }
0x64: {  	_ =	shalt  }
0x65: {  	_ =	shalt  }
0x66: {  	_ =	shalt  }
0x67: {  	_ =	shalt  }
0x68: {  	_ =	shalt  }
0x69: {  	_ =	shalt  }
0x6a: {  	_ =	shalt  }
0x6b: {  	_ =	shalt  }
0x6c: {  	_ =	shalt  }
0x6d: {  	_ =	shalt  }
0x6e: {  	_ =	shalt  }
0x6f: {  	_ =	shalt  }
0x70: {  	_ =	shalt  }
0x71: {  	_ =	shalt  }
0x72: {  	_ =	shalt  }
0x73: {  	_ =	shalt  }
0x74: {  	_ =	shalt  }
0x75: {  	_ =	shalt  }
0x76: {  	_ =	shalt  }
0x77: {  	_ =	shalt  }
0x78: {  	_ =	shalt  }
0x79: {  	_ =	shalt  }
0x7a: {  	_ =	shalt  }
0x7b: {  	_ =	shalt  }
0x7c: {  	_ =	shalt  }
0x7d: {  	_ =	shalt  }
0x7e: {  	_ =	shalt  }
0x7f: {  	_ =	shalt  }
0x80: {  	_ =	shalt  }
0x81: {  	_ =	shalt  }
0x82: {  	_ =	shalt  }
0x83: {  	_ =	shalt  }
0x84: {  	_ =	shalt  }
0x85: {  	_ =	shalt  }
0x86: {  	_ =	shalt  }
0x87: {  	_ =	shalt  }
.Lfunc_end0:
.L_simem_size_0:
called_computation.1_lowered:
.L_overlay_start_0:
0x88: {  	s2 =	sld [smem:$0x3FD9]  }
0x89: {  	s3 =	sld [smem:$0x3FFE];
	_ =	sdelay $0x1  }
0x8a: {  	s1 =	srdreg.scid  }
0x8b: {  	s0 =	sand.u32 $0x1, s1  }
0x8c: {  	s17 =	sshll.u32 s0, $0xA;
	s2 =	sadd.s32 s3, s2  }
0x8d: {  	s2 =	sadd.s32 s2, s17  }
0x8e: {  	[smem:$0x3FC6] =	sst s2  }
0x8f: {  	_ = 	snop  }
0x90: {  	s2 =	sld [smem:$0x3FD0];
	(tm) =	ssettm $0x1  }
0x91: {  	s18 =	sld [smem:$0x3FFB];
	_ =	sdelay $0x3  }
0x92: {  	_ =	strace s18  }
0x93: {  	s3 =	sld [smem:$0x3FFC];
	_ =	sdelay $0x3  }
0x94: {  	_ =	strace s3  }
0x95: {  	s3 =	sld [smem:$0x3FFD];
	_ =	sdelay $0x3  }
0x96: {  	_ =	strace s3  }
0x97: {  	_ =	strace $0x8FFFFFFF  }
0x98: {  	s19 =	sld [smem:$0x3FDB];
	_ =	sdelay $0x1  }
0x99: {  	s4 =	simm.s32 $_scs_section_size  }
0x9a: {  	s5 =	simm.s32 $_size__tile_overlayer_lowered;
	s6 =	simm.s32 $_tile_overlayer_lowered  }
0x9b: {  	s22 =	simm.s32 $0x1BFF;
	s21 =	sshll.u32 s6, $0x1;
	s3 =	sadd.s32 s4, s19  }
0x9c: {  	s7 =	simm.s32 $0x0;
	s20 =	sshll.u32 s5, $0x1;
	s5 =	sadd.s32 s21, s3  }
0x9d: {  	[timem:s7], [sflag:s22] =	dma.local [hbm:s5], s20  }
0x9e: {  	_ =	swait.ge [sflag:s22], s20  }
0x9f: {  	s4 =	ssub.s32 $0x0, s20;
	[sflag:s22] =	ssyncset.done $0x0  }
0xa0: {  	[sflag:s22] =	ssyncadd.s32 s4;
	_ =	sdelay $0x1  }
0xa1: {  	s23 =	simm.s32 $0x1B8B  }
0xa2: {  	_ =	swait.ge [sflag:s23], $0x1  }
0xa3: {  	[sflag:s23] =	ssyncset.done $0x0  }
0xa4: {  	s25 =	simm.s32 $0x1B8E;
	s24 =	sld [smem:$0x3FFE];
	[sflag:s23] =	ssyncadd.s32 $0xFFFFFFFF  }
0xa5: {  	s26 =	simm.s32 $execute0_lowered;
	[smem:$0x3FD2] =	sst s25  }
0xa6: {  	s5 =	sshll.u32 s26, $0x1;
	_ =	strace $0x80000046;
	[dreg:$0x1] =	wrdreg $0xFFFFFFFF  }
0xa7: {  	s28 =	simm.s32 $_size_execute0_lowered;
	s3 =	sadd.s32 s3, s5;
	[dreg:$0x0] =	wrdreg $0x0  }
0xa8: {  	s5 =	sshll.u32 s28, $0x1;
	[dreg:$0x2] =	wrdreg s3  }
0xa9: {  	[dreg:$0x3] =	wrdreg s5  }
0xaa: {  	[dreg:$0x4] =	wrdreg $0xC0  }
0xab: {  	_ =	task [dreg:s7], $0x5FFFF  }
0xac: {  	[dreg:$0x1] =	wrdreg $0xFFFFFFFF  }
0xad: {  	[dreg:$0x0] =	wrdreg $0x60  }
0xae: {  	[dreg:$0x2] =	wrdreg s24  }
0xaf: {  	[dreg:$0x3] =	wrdreg s2  }
0xb0: {  	[dreg:$0x4] =	wrdreg $0x9  }
0xb1: {  	_ =	task.clear_ibuf [dreg:s7], $0x5FFFF;
	_ =	strace $0x90000046  }
0xb2: {  	s29 =	simm.s32 $0x9;
	_ =	strace $0x80000048  }
0xb3: {  	_ =	swait.ge [sflag:s29], $0x1  }
0xb4: {  	[sflag:s29] =	ssyncadd.s32 $0xFFFFFFFF  }
0xb5: {  	_ =	strace $0x90000048  }
0xb6: {  	_ =	sfence  }
0xb7: {  	s30 =	sld [smem:$0x0];
	_ =	sdelay $0x2  }
0xb8: {  	s31 =	sshll.u32 s1, $0xD;
	s1 =	sshrl.u32 s1, $0x2  }
0xb9: {  	s3 =	sand.u32 $0x4000, s31;
	s1 =	sadd.s32 s1, s30  }
0xba: {  	s0 =	sor.u32 s3, s0;
	s1 =	sshll.u32 s1, $0x11  }
0xbb: {  	s0 =	sor.u32 s1, s0  }
0xbc: {  	s0 =	sadd.s32 $0x8F2B, s0  }
0xbd: {  	[sflag:s0] =	ssyncadd.remote.s32 $0x1  }
0xbe: {  	_ =	sfence.sel $0xFFFF  }
0xbf: {  	[dreg:$0x0] =	wrdreg $0xFFFFFFFF;
	(pc) =	sbr.abs _section_cstart, $3  }
0xc0: {  	[dreg:$0x1] =	wrdreg $0xFFFFFFFF  }
0xc1: {  	_ =	task.clear_ibuf [dreg:s7], $0x2FFFF;
	_ =	strace $0x9FFFFFFF  }
0xc2: {  	(tm) =	ssettm $0x7FFFFFFF  }
0xc3: {  	_ =	shalt  }
tec
execute0_lowered:
.L_overlay_start_1:
0x0: {  	(tag) =	ssettag $0x1  }
0x1: {  	s0 =	srdreg.scid;
	s1 =	rddreg [dreg:$0x0]  }
0x2: {  	s9 =	stileid.u32;
	s4 =	rddreg [dreg:$0x1]  }
0x3: {  	s13 =	simm.s32 $0xC8;
	s14 =	simm.s32 $0x6400;
	s15 =	simm.s32 $0x9600  }
0x4: {  	s17 =	simm.s32 $0xC800;
	s28 =	simm.s32 $0x1;
	s29 =	simm.s32 $0x2  }
0x5: {  	s30 =	simm.s32 $0x3;
	s31 =	simm.s32 $0x4;
	s16 =	simm.s32 $0x7  }
0x6: {  	s18 =	simm.s32 $0x8;
	s0 =	sand.u32 $0x1, s0;
	s2 =	sshll.u32 s9, $0x1  }
0x7: {  	s11 =	simm.s32 $0xE;
	s22 =	smul.u32 $0x64000, s9;
	s3 =	sor.u32 s0, s2  }
0x8: {  	s2 =	simm.s32 $0x0;
	s6 =	ssub.s32 $0x2, s0;
	s0 =	smul.u32 $0x32000, s0  }
0x9: {  	s12 =	simm.s32 $0xF;
	s5 =	smul.u32 $0xC80, s3;
	[smem:$0x7FF] =	sst s2  }
0xa: {  	s7 =	smul.u32 $0x32000, s3;
	s8 =	sshrl.u32 s6, $0x1;
	s3 =	sadd.s32 $0xF42E00, s1  }
0xb: {  	s26 =	sadd.s32 s22, s4;
	s22 =	simm.s32 $0xA;
	_ =	strace $0x80000047  }
0xc: {  	s19 =	ssub.s32 s6, s8;
	s0 =	sadd.s32 s0, s26;
	s26 =	simm.s32 $0x1C200  }
0xd: {  	s5 =	sadd.s32 s5, s1;
	s1 =	smax.u32 s19, $0x1;
	[dreg:$0xa] =	wrdreg s0  }
0xe: {  	s8 =	simm.s32 $0x0;
	s20 =	sadd.s32 s4, s7;
	[dreg:$0x6] =	wrdreg s1  }
0xf: {  	s19 =	simm.s32 $0xFA00;
	s5 =	sadd.s32 $0xA00, s5;
	[dreg:$0x3] =	wrdreg s20  }
0x10: {  	s0 =	simm.s32 $0x6;
	s21 =	sadd.s32 $0x31380, s20;
	[dreg:$0x4] =	wrdreg s5  }
.Ltmp0:
0x11: {  	s23 =	sadd.s32 $0x30D40, s20;
	[dreg:$0x5] =	wrdreg s21;
	(pc) =	sbr.rel .LBB2_1-.Ltmp0, $4  }
0x12: {  	s7 =	simm.s32 $0xD;
	s24 =	sadd.s32 $0x300C0, s20;
	[dreg:$0x7] =	wrdreg s23  }
0x13: {  	s25 =	sadd.s32 $0x30700, s20;
	s1 =	simm.s32 $0x5;
	[dreg:$0x8] =	wrdreg s24  }
0x14: {  	[dreg:$0x9] =	wrdreg s25;
	s21 =	simm.s32 $0x12C00;
	s23 =	simm.s32 $0x15E00  }
0x15: {  	s25 =	simm.s32 $0x19000;
	s24 =	simm.s32 $0xB;
	s5 =	simm.s32 $0xC  }
.LBB2_6:
0x16: {  	s4 =	simm.s32 $0x9  }
0x17: {  	_ =	swait.ge [sflag:s4], $0x3200  }
0x18: {  	[sflag:s4] =	ssyncset.done $0x0  }
0x19: {  	[sflag:s4] =	ssyncadd.s32 $0xFFFFCE00  }
0x1a: {  	_ =	swait.ge [sflag:s22], $0x3200  }
0x1b: {  	[sflag:s22] =	ssyncset.done $0x0  }
0x1c: {  	[sflag:s22] =	ssyncadd.s32 $0xFFFFCE00  }
0x1d: {  	_ =	swait.ge [sflag:s24], $0x3200  }
0x1e: {  	[sflag:s24] =	ssyncset.done $0x0  }
0x1f: {  	[sflag:s24] =	ssyncadd.s32 $0xFFFFCE00  }
0x20: {  	_ =	swait.ge [sflag:s5], $0x3200  }
0x21: {  	[sflag:s5] =	ssyncset.done $0x0  }
0x22: {  	[sflag:s5] =	ssyncadd.s32 $0xFFFFCE00  }
0x23: {  	_ =	swait.ge [sflag:s7], $0x3200  }
0x24: {  	[sflag:s7] =	ssyncset.done $0x0  }
0x25: {  	[sflag:s7] =	ssyncadd.s32 $0xFFFFCE00  }
0x26: {  	_ =	swait.ge [sflag:s11], $0x3200  }
0x27: {  	[sflag:s11] =	ssyncset.done $0x0  }
0x28: {  	[sflag:s11] =	ssyncadd.s32 $0xFFFFCE00  }
0x29: {  	_ =	swait.ge [sflag:s12], $0x3200  }
0x2a: {  	[sflag:s12] =	ssyncset.done $0x0  }
0x2b: {  	s6 =	simm.s32 $0x10;
	[sflag:s12] =	ssyncadd.s32 $0xFFFFCE00  }
0x2c: {  	_ =	swait.ge [sflag:s6], $0x3200  }
0x2d: {  	s8 =	rddreg [dreg:$0xb]  }
0x2e: {  	s20 =	rddreg [dreg:$0x6];
	s8 =	sadd.s32 $0x1, s8  }
0x2f: {  	p0 =	sne.s32 s8, s20  }
.Ltmp1:
0x30: {  	_ = 	snop;
	(pc) =	sbr.rel @!p0 .LBB2_7-.Ltmp1, $3  }
0x31: {  	_ =	sdelay $0x1  }
0x32: {  	[sflag:s6] =	ssyncset.done $0x0  }
0x33: {  	[sflag:s6] =	ssyncadd.s32 $0xFFFFCE00  }
.LBB2_1:
0x34: {  	[dreg:$0xb] =	wrdreg s8  }
0x35: {  	s4 =	rddreg [dreg:$0x4];
	s20 =	simm.s32 $0x11  }
0x36: {  	[tilespmem:s2], [sflag:$0x11] =	stream.linear.gather [hbm4b:s4+s2], $0x6400, $0x38;
	[tilespmem:$0x1F400] =	vst v63  }
0x37: {  	_ =	swait.ge [sflag:s20], $0x6400  }
0x38: {  	[sflag:s20] =	ssyncset.done $0x0  }
0x39: {  	[sflag:s20] =	ssyncadd.s32 $0xFFFF9C00  }
0x3a: {  	[tilespmem:s14], [sflag:$0x1] =	stream.indirect.gather [hbm4b:s3+s13], $0x40, s2, s13, $0xb8;
	[tilespmem:$0x1F400] =	vst v63  }
0x3b: {  	_ = 	snop  }
0x3c: {  	[tilespmem:s15], [sflag:$0x2] =	stream.indirect.gather [hbm4b:s3+s13], $0x40, s13, s13, $0xb8;
	[tilespmem:$0x1F400] =	vst v63  }
0x3d: {  	s6 =	simm.s32 $0x190  }
0x3e: {  	[tilespmem:s17], [sflag:$0x3] =	stream.indirect.gather [hbm4b:s3+s13], $0x40, s6, s13, $0xb8;
	[tilespmem:$0x1F400] =	vst v63  }
0x3f: {  	s8 =	simm.s32 $0x258  }
0x40: {  	[tilespmem:s19], [sflag:$0x4] =	stream.indirect.gather [hbm4b:s3+s13], $0x40, s8, s13, $0xb8;
	[tilespmem:$0x1F400] =	vst v63  }
0x41: {  	s9 =	simm.s32 $0x320  }
0x42: {  	[tilespmem:s21], [sflag:$0x5] =	stream.indirect.gather [hbm4b:s3+s13], $0x40, s9, s13, $0xb8;
	[tilespmem:$0x1F400] =	vst v63  }
.Ltmp2:
0x43: {  	s10 =	simm.s32 $0x3E8;
	(pc) =	sbr.rel .LBB2_2-.Ltmp2, $4  }
0x44: {  	[tilespmem:s23], [sflag:$0x6] =	stream.indirect.gather [hbm4b:s3+s13], $0x40, s10, s13, $0xb8;
	[tilespmem:$0x1F400] =	vst v63  }
0x45: {  	s20 =	simm.s32 $0x4B0  }
0x46: {  	[tilespmem:s25], [sflag:$0x7] =	stream.indirect.gather [hbm4b:s3+s13], $0x40, s20, s13, $0xb8;
	[tilespmem:$0x1F400] =	vst v63  }
0x47: {  	s4 =	simm.s32 $0x0;
	s20 =	rddreg [dreg:$0xa]  }
.LBB2_4:
0x48: {  	_ =	swait.ge [sflag:s30], $0x3200  }
0x49: {  	[sflag:s30] =	ssyncset.done $0x0;
	s6 =	rddreg [dreg:$0x3]  }
0x4a: {  	[sflag:s30] =	ssyncadd.s32 $0xFFFFCE00;
	s6 =	sadd.s32 $0x2FA80, s6  }
0x4b: {  	[hbm4b:s6+s2] =	stream.linear.scatter [tilespmem:s17], [sflag:$0xB], $0x3200, $0x38;
	[tilespmem:$0x1F400] =	vst v63  }
0x4c: {  	_ =	swait.ge [sflag:s31], $0x3200  }
0x4d: {  	[sflag:s31] =	ssyncset.done $0x0  }
0x4e: {  	s10 =	rddreg [dreg:$0x8];
	[sflag:s31] =	ssyncadd.s32 $0xFFFFCE00  }
0x4f: {  	[hbm4b:s10+s2] =	stream.linear.scatter [tilespmem:s19], [sflag:$0xC], $0x3200, $0x38;
	[tilespmem:$0x1F400] =	vst v63  }
0x50: {  	_ =	swait.ge [sflag:s1], $0x3200  }
0x51: {  	[sflag:s1] =	ssyncset.done $0x0  }
0x52: {  	s8 =	rddreg [dreg:$0x9];
	[sflag:s1] =	ssyncadd.s32 $0xFFFFCE00  }
0x53: {  	[hbm4b:s8+s2] =	stream.linear.scatter [tilespmem:s21], [sflag:$0xD], $0x3200, $0x38;
	[tilespmem:$0x1F400] =	vst v63  }
0x54: {  	_ =	swait.ge [sflag:s0], $0x3200  }
0x55: {  	[sflag:s0] =	ssyncset.done $0x0  }
0x56: {  	s9 =	rddreg [dreg:$0x7];
	[sflag:s0] =	ssyncadd.s32 $0xFFFFCE00  }
0x57: {  	[hbm4b:s9+s2] =	stream.linear.scatter [tilespmem:s23], [sflag:$0xE], $0x3200, $0x38;
	[tilespmem:$0x1F400] =	vst v63  }
0x58: {  	_ =	swait.ge [sflag:s16], $0x3200  }
0x59: {  	[sflag:s16] =	ssyncset.done $0x0  }
0x5a: {  	s10 =	rddreg [dreg:$0x5];
	[sflag:s16] =	ssyncadd.s32 $0xFFFFCE00  }
0x5b: {  	[hbm4b:s10+s2] =	stream.linear.scatter [tilespmem:s25], [sflag:$0xF], $0x3200, $0x38;
	[tilespmem:$0x1F400] =	vst v63  }
.LBB2_5:
0x5c: {  	s4 =	sadd.s32 $0x1900, s4  }
0x5d: {  	p0 =	sne.s32 s4, $0x19000  }
.Ltmp3:
0x5e: {  	_ = 	snop;
	(pc) =	sbr.rel @!p0 .LBB2_6-.Ltmp3, $4  }
0x5f: {  	_ =	swait.ge [sflag:s18], $0x3200  }
0x60: {  	[sflag:s18] =	ssyncset.done $0x0  }
0x61: {  	s6 =	sadd.s32 $0x2BC0, s20;
	s20 =	sadd.s32 $0x3200, s20;
	[sflag:s18] =	ssyncadd.s32 $0xFFFFCE00  }
0x62: {  	[hbm4b:s6+s2] =	stream.linear.scatter [tilespmem:s26], [sflag:$0x10], $0x3200, $0x38;
	[tilespmem:$0x1F400] =	vst v63  }
.LBB2_2:
0x63: {  	p0 =	seq.s32 s4, $0x0  }
0x64: {  	s8 =	simm.s32 @!p0 $0x10  }
0x65: {  	_ =	swait.ge @!p0 [sflag:s8], $0x3200  }
0x66: {  	s6 =	sshra.s32 s4, $0x2;
	[sflag:s8] =	ssyncset.done @!p0 $0x0  }
0x67: {  	s9 =	sadd.s32 $0x578, s6;
	[sflag:s8] =	ssyncadd.s32 @!p0 $0xFFFFCE00  }
0x68: {  	[tilespmem:s26], [sflag:$0x8] =	stream.indirect.gather [hbm4b:s3+s13], $0x40, s9, s13, $0xb8;
	[tilespmem:$0x1F400] =	vst v63  }
0x69: {  	_ =	swait.ge [sflag:s28], $0x3200  }
0x6a: {  	p0 =	seq.s32 s4, $0x17700;
	[sflag:s28] =	ssyncset.done $0x0  }
0x6b: {  	s8 =	simm.s32 @!p0 $0x9;
	[sflag:s28] =	ssyncadd.s32 $0xFFFFCE00  }
0x6c: {  	[hbm4b:s20+s2] =	stream.linear.scatter [tilespmem:s14], [sflag:$0x9], $0x3200, $0x38;
	[tilespmem:$0x1F400] =	vst v63  }
0x6d: {  	_ =	swait.ge @!p0 [sflag:s8], $0x3200  }
0x6e: {  	[sflag:s8] =	ssyncset.done @!p0 $0x0  }
0x6f: {  	[sflag:s8] =	ssyncadd.s32 @!p0 $0xFFFFCE00;
	s8 =	sshra.s32 @!p0 s4, $0x2  }
0x70: {  	s9 =	simm.s32 @!p0 $0xC8;
	s10 =	simm.s32 @!p0 $0x6400;
	s8 =	sadd.s32 @!p0 $0x640, s8  }
0x71: {  	[tilespmem:s10], [sflag:$0x1] =	stream.indirect.gather @!p0 [hbm4b:s3+s9], $0x40, s8, s9, $0xb8;
	[tilespmem:$0x1F400] =	vst v63  }
.Ltmp4:
0x72: {  	_ = 	snop;
	(pc) =	sbr.rel @p0 .LBB2_4-.Ltmp4, $4  }
0x73: {  	_ =	swait.ge [sflag:s29], $0x3200  }
0x74: {  	[sflag:s29] =	ssyncset.done $0x0  }
0x75: {  	s10 =	sadd.s32 $0x640, s20;
	[sflag:s29] =	ssyncadd.s32 $0xFFFFCE00  }
0x76: {  	[hbm4b:s10+s2] =	stream.linear.scatter [tilespmem:s15], [sflag:$0xA], $0x3200, $0x38;
	[tilespmem:$0x1F400] =	vst v63  }
0x77: {  	_ =	swait.ge [sflag:s22], $0x3200  }
0x78: {  	[sflag:s22] =	ssyncset.done $0x0  }
0x79: {  	s8 =	sadd.s32 $0x708, s6;
	[sflag:s22] =	ssyncadd.s32 $0xFFFFCE00  }
0x7a: {  	[tilespmem:s15], [sflag:$0x2] =	stream.indirect.gather [hbm4b:s3+s13], $0x40, s8, s13, $0xb8;
	[tilespmem:$0x1F400] =	vst v63  }
0x7b: {  	_ =	swait.ge [sflag:s30], $0x3200  }
0x7c: {  	[sflag:s30] =	ssyncset.done $0x0  }
0x7d: {  	s9 =	sadd.s32 $0xC80, s20;
	[sflag:s30] =	ssyncadd.s32 $0xFFFFCE00  }
0x7e: {  	[hbm4b:s9+s2] =	stream.linear.scatter [tilespmem:s17], [sflag:$0xB], $0x3200, $0x38;
	[tilespmem:$0x1F400] =	vst v63  }
0x7f: {  	_ =	swait.ge [sflag:s24], $0x3200  }
0x80: {  	[sflag:s24] =	ssyncset.done $0x0  }
0x81: {  	s10 =	sadd.s32 $0x7D0, s6;
	[sflag:s24] =	ssyncadd.s32 $0xFFFFCE00  }
0x82: {  	[tilespmem:s17], [sflag:$0x3] =	stream.indirect.gather [hbm4b:s3+s13], $0x40, s10, s13, $0xb8;
	[tilespmem:$0x1F400] =	vst v63  }
0x83: {  	_ =	swait.ge [sflag:s31], $0x3200  }
0x84: {  	[sflag:s31] =	ssyncset.done $0x0  }
0x85: {  	s9 =	sadd.s32 $0x12C0, s20;
	[sflag:s31] =	ssyncadd.s32 $0xFFFFCE00  }
0x86: {  	[hbm4b:s9+s2] =	stream.linear.scatter [tilespmem:s19], [sflag:$0xC], $0x3200, $0x38;
	[tilespmem:$0x1F400] =	vst v63  }
0x87: {  	_ =	swait.ge [sflag:s5], $0x3200  }
0x88: {  	[sflag:s5] =	ssyncset.done $0x0  }
0x89: {  	s10 =	sadd.s32 $0x898, s6;
	[sflag:s5] =	ssyncadd.s32 $0xFFFFCE00  }
0x8a: {  	[tilespmem:s19], [sflag:$0x4] =	stream.indirect.gather [hbm4b:s3+s13], $0x40, s10, s13, $0xb8;
	[tilespmem:$0x1F400] =	vst v63  }
0x8b: {  	_ =	swait.ge [sflag:s1], $0x3200  }
0x8c: {  	[sflag:s1] =	ssyncset.done $0x0  }
0x8d: {  	s9 =	sadd.s32 $0x1900, s20;
	[sflag:s1] =	ssyncadd.s32 $0xFFFFCE00  }
0x8e: {  	[hbm4b:s9+s2] =	stream.linear.scatter [tilespmem:s21], [sflag:$0xD], $0x3200, $0x38;
	[tilespmem:$0x1F400] =	vst v63  }
0x8f: {  	_ =	swait.ge [sflag:s7], $0x3200  }
0x90: {  	[sflag:s7] =	ssyncset.done $0x0  }
0x91: {  	s10 =	sadd.s32 $0x960, s6;
	[sflag:s7] =	ssyncadd.s32 $0xFFFFCE00  }
0x92: {  	[tilespmem:s21], [sflag:$0x5] =	stream.indirect.gather [hbm4b:s3+s13], $0x40, s10, s13, $0xb8;
	[tilespmem:$0x1F400] =	vst v63  }
0x93: {  	_ =	swait.ge [sflag:s0], $0x3200  }
0x94: {  	[sflag:s0] =	ssyncset.done $0x0  }
0x95: {  	s9 =	sadd.s32 $0x1F40, s20;
	[sflag:s0] =	ssyncadd.s32 $0xFFFFCE00  }
0x96: {  	[hbm4b:s9+s2] =	stream.linear.scatter [tilespmem:s23], [sflag:$0xE], $0x3200, $0x38;
	[tilespmem:$0x1F400] =	vst v63  }
0x97: {  	_ =	swait.ge [sflag:s11], $0x3200  }
0x98: {  	[sflag:s11] =	ssyncset.done $0x0  }
0x99: {  	s10 =	sadd.s32 $0xA28, s6;
	[sflag:s11] =	ssyncadd.s32 $0xFFFFCE00  }
0x9a: {  	[tilespmem:s23], [sflag:$0x6] =	stream.indirect.gather [hbm4b:s3+s13], $0x40, s10, s13, $0xb8;
	[tilespmem:$0x1F400] =	vst v63  }
0x9b: {  	_ =	swait.ge [sflag:s16], $0x3200  }
0x9c: {  	[sflag:s16] =	ssyncset.done $0x0  }
0x9d: {  	s9 =	sadd.s32 $0x2580, s20;
	[sflag:s16] =	ssyncadd.s32 $0xFFFFCE00  }
0x9e: {  	[hbm4b:s9+s2] =	stream.linear.scatter [tilespmem:s25], [sflag:$0xF], $0x3200, $0x38;
	[tilespmem:$0x1F400] =	vst v63  }
.Ltmp5:
0x9f: {  	_ = 	snop;
	(pc) =	sbr.rel .LBB2_5-.Ltmp5, $4  }
0xa0: {  	_ =	swait.ge [sflag:s12], $0x3200  }
0xa1: {  	[sflag:s12] =	ssyncset.done $0x0  }
0xa2: {  	s10 =	sadd.s32 $0xAF0, s6;
	[sflag:s12] =	ssyncadd.s32 $0xFFFFCE00  }
0xa3: {  	[tilespmem:s25], [sflag:$0x7] =	stream.indirect.gather [hbm4b:s3+s13], $0x40, s10, s13, $0xb8;
	[tilespmem:$0x1F400] =	vst v63  }
.LBB2_7:
0xa4: {  	_ =	sfence.sel $0x180000  }
0xa5: {  	[bflag:$0x0] =	sbarrier.arrive $0xFFFF  }
0xa6: {  	_ =	strace $0x90000047  }
0xa7: {  	s0 =	stileid.u32;
	[bflag:$0x2] =	sbarrier.arrive $0xFFFF  }
0xa8: {  	p0 =	sne.s32 s0, $0x0;
	s0 =	rddreg [dreg:$0x2]  }
0xa9: {  	s0 =	sadd.s32 @!p0 $0x100000, s0  }
0xaa: {  	[sflag:s0] =	ssyncadd.tile.s32 @!p0 $0x1;
	_ =	shalt  }
.Lfunc_end2:
_tile_overlayer_lowered:
.L_overlay_start_2:
0xab: {  	(tag) =	ssettag $0x2  }
0xac: {  	s0 =	rddreg [dreg:$0x0];
	s2 =	stileid.u32  }
0xad: {  	s1 =	rddreg [dreg:$0x1];
	p0 =	sne.s32 s2, $0x0  }
0xae: {  	s3 =	rddreg [dreg:$0x2];
	[bflag:$0x3] =	sbarrier.arrive $0xFFFF;
	s2 =	simm.s32 @!p0 $0x1C11  }
0xaf: {  	[timem:s3], [sflag:s2] =	dma.local @!p0 [hbm:s0], s1  }
0xb0: {  	s0 =	simm.s32 @!p0 $0x11  }
0xb1: {  	_ =	swait.ge @!p0 [sflag:s0], s1  }
0xb2: {  	s1 =	ssub.s32 @!p0 $0x0, s1;
	[sflag:s0] =	ssyncset.done @!p0 $0x0  }
0xb3: {  	[sflag:s0] =	ssyncadd.s32 @!p0 s1  }
0xb4: {  	[bflag:$0x3] =	sbarrier.arrive $0xFFFF  }
0xb5: {  	_ =	shalt  }

// kernel: sparse-core-data-format-call.cloned.1.call-start
scs
called_computation_lowered:
.L_overlay_start_0:
0x0: {  	s2 =	sld [smem:$0x3FD9]  }
0x1: {  	s3 =	sld [smem:$0x3FFE];
	_ =	sdelay $0x1  }
0x2: {  	s1 =	srdreg.scid  }
0x3: {  	s0 =	sand.u32 $0x1, s1  }
0x4: {  	s18 =	sshll.u32 s0, $0xA;
	s2 =	sadd.s32 s3, s2  }
0x5: {  	s2 =	sadd.s32 s2, s18  }
0x6: {  	[smem:$0x3FC6] =	sst s2  }
0x7: {  	_ = 	snop  }
0x8: {  	s2 =	sld [smem:$0x3FD0];
	(tm) =	ssettm $0x1  }
0x9: {  	s19 =	sld [smem:$0x3FFB];
	_ =	sdelay $0x3  }
0xa: {  	_ =	strace s19  }
0xb: {  	s3 =	sld [smem:$0x3FFC];
	_ =	sdelay $0x3  }
0xc: {  	_ =	strace s3  }
0xd: {  	s3 =	sld [smem:$0x3FFD];
	_ =	sdelay $0x3  }
0xe: {  	_ =	strace s3  }
0xf: {  	_ =	strace $0x8FFFFFFF  }
0x10: {  	s20 =	sld [smem:$0x3FDB];
	_ =	sdelay $0x1  }
0x11: {  	s4 =	simm.s32 $_scs_section_size  }
0x12: {  	s5 =	simm.s32 $_size__tile_overlayer_lowered;
	s6 =	simm.s32 $_tile_overlayer_lowered  }
0x13: {  	s23 =	simm.s32 $0x1BFF;
	s22 =	sshll.u32 s6, $0x1;
	s3 =	sadd.s32 s4, s20  }
0x14: {  	s7 =	simm.s32 $0x0;
	s21 =	sshll.u32 s5, $0x1;
	s5 =	sadd.s32 s22, s3  }
0x15: {  	[timem:s7], [sflag:s23] =	dma.local [hbm:s5], s21  }
0x16: {  	_ =	swait.ge [sflag:s23], s21  }
0x17: {  	s4 =	ssub.s32 $0x0, s21;
	[sflag:s23] =	ssyncset.done $0x0  }
0x18: {  	[sflag:s23] =	ssyncadd.s32 s4;
	_ =	sdelay $0x1  }
0x19: {  	s24 =	simm.s32 $0x1B8B  }
0x1a: {  	_ =	swait.ge [sflag:s24], $0x1  }
0x1b: {  	[sflag:s24] =	ssyncset.done $0x0  }
0x1c: {  	s26 =	simm.s32 $0x1B8E;
	s25 =	sld [smem:$0x3FFE];
	[sflag:s24] =	ssyncadd.s32 $0xFFFFFFFF  }
0x1d: {  	s27 =	simm.s32 $execute0_lowered;
	[smem:$0x3FD2] =	sst s26  }
0x1e: {  	s5 =	sshll.u32 s27, $0x1;
	_ =	strace $0x80000049;
	[dreg:$0x1] =	wrdreg $0xFFFFFFFF  }
0x1f: {  	s28 =	simm.s32 $_size_execute0_lowered;
	s3 =	sadd.s32 s3, s5;
	[dreg:$0x0] =	wrdreg $0x0  }
0x20: {  	s5 =	sshll.u32 s28, $0x1;
	[dreg:$0x2] =	wrdreg s3  }
0x21: {  	[dreg:$0x3] =	wrdreg s5  }
0x22: {  	[dreg:$0x4] =	wrdreg $0xC0  }
0x23: {  	_ =	task [dreg:s7], $0x5FFFF  }
0x24: {  	[dreg:$0x1] =	wrdreg $0xFFFFFFFF  }
0x25: {  	[dreg:$0x0] =	wrdreg $0x60  }
0x26: {  	[dreg:$0x2] =	wrdreg s25  }
0x27: {  	[dreg:$0x3] =	wrdreg s2  }
0x28: {  	[dreg:$0x4] =	wrdreg $0x9  }
0x29: {  	_ =	task.clear_ibuf [dreg:s7], $0x5FFFF;
	_ =	strace $0x90000049  }
0x2a: {  	s29 =	simm.s32 $0x9;
	_ =	strace $0x8000004B  }
0x2b: {  	_ =	swait.ge [sflag:s29], $0x1  }
0x2c: {  	[sflag:s29] =	ssyncadd.s32 $0xFFFFFFFF  }
0x2d: {  	_ =	strace $0x9000004B  }
0x2e: {  	_ =	sfence  }
0x2f: {  	s30 =	sld [smem:$0x0];
	_ =	sdelay $0x2  }
0x30: {  	s31 =	sshll.u32 s1, $0xD;
	s1 =	sshrl.u32 s1, $0x2  }
0x31: {  	s3 =	sand.u32 $0x4000, s31;
	s1 =	sadd.s32 s1, s30  }
0x32: {  	s0 =	sor.u32 s3, s0;
	s1 =	sshll.u32 s1, $0x11  }
0x33: {  	s0 =	sor.u32 s1, s0  }
0x34: {  	s0 =	sadd.s32 $0x8F2B, s0  }
0x35: {  	[sflag:s0] =	ssyncadd.remote.s32 $0x1  }
0x36: {  	_ =	sfence.sel $0xFFFF  }
0x37: {  	[dreg:$0x0] =	wrdreg $0xFFFFFFFF;
	(pc) =	sbr.abs _section_cstart, $3  }
0x38: {  	[dreg:$0x1] =	wrdreg $0xFFFFFFFF  }
0x39: {  	_ =	task.clear_ibuf [dreg:s7], $0x2FFFF;
	_ =	strace $0x9FFFFFFF  }
0x3a: {  	(tm) =	ssettm $0x7FFFFFFF  }
0x3b: {  	_ =	shalt  }
tec
execute0_lowered:
.L_overlay_start_1:
0x0: {  	(tag) =	ssettag $0x1  }
0x1: {  	s0 =	srdreg.scid  }
0x2: {  	s1 =	sshll.u32 s0, $0x4  }
0x3: {  	s0 =	stileid.u32;
	s1 =	sand.u32 $0x10, s1  }
0x4: {  	s1 =	sor.u32 s0, s1  }
0x5: {  	s6 =	rddreg [dreg:$0x0];
	s4 =	simm.s32 $0x1;
	s2 =	sshll.u32 s1, $0x7  }
0x6: {  	s7 =	simm.s32 $0x2;
	s12 =	simm.s32 $0x0;
	s1 =	ssub.s32 $0x1000, s2  }
0x7: {  	s8 =	simm.s32 $0x8000;
	s13 =	simm.s32 $0x0;
	s3 =	sand.u32 $0xF80, s1  }
0x8: {  	s9 =	simm.s32 $0x0;
	s5 =	sshrl.u32 s1, $0xC;
	p0 =	sne.s32 s3, $0x0  }
.Ltmp0:
0x9: {  	s1 =	rddreg [dreg:$0x2];
	s4 =	simm.s32 @!p0 $0x0;
	(pc) =	sbr.rel .LBB1_1-.Ltmp0, $4  }
0xa: {  	s11 =	simm.s32 $0x0;
	s3 =	rddreg [dreg:$0x1];
	s5 =	sadd.s32 s4, s5  }
0xb: {  	_ =	strace $0x8000004A;
	s4 =	simm.s32 $0x1;
	s5 =	smul.u32 $0xC8, s5  }
0xc: {  	s6 =	sadd.s32 $0xA00, s6;
	s10 =	smov.u32 s2;
	[sflag:s4] =	ssyncpa.u1 $0x0  }
0xd: {  	p0 =	por $0x0, $0x0;
	[sflag:s7] =	ssyncpa.u1 $0x0;
	s7 =	sor.u32 $0x1, s5  }
.LBB1_4:
0xe: {  	s16 =	sshll.u32 s13, $0x3;
	s17 =	sand.u32 $0x78, s13  }
0xf: {  	s30 =	sand.u32 $0x7E00, s13;
	s12 =	sshll.u32 s12, $0xF;
	s16 =	sand.u32 $0xC00, s16  }
0x10: {  	[tilespmem:s15+$0x810 ss:$0x81] =	vst.msk $0xffff, v2;
	s31 =	sand.u32 $0x7, s13;
	s16 =	sor.u32 s17, s16;
	s17 =	sadd.s32 s3, s30  }
0x11: {  	[tilespmem:s15+$0x1020 ss:$0x81] =	vst.msk $0xffff, v0;
	s13 =	sshll.u32 s31, $0x12;
	s12 =	sadd.s32 s12, s17;
	s16 =	sshrl.u32 s16, $0x3  }
0x12: {  	[tilespmem:s15+$0x0 ss:$0x81] =	vst.msk $0xffff, v1;
	s13 =	sor.u32 $0x400, s13;
	s12 =	sadd.s32 s16, s12  }
0x13: {  	[hbm4b:s12+s13] =	stream.strided.scatter [tilespmem:s14], [sflag:$0x2], $0x2000, s8, s13, $0x20;
	[tilespmem:$0x8080] =	vst v63  }
.LBB1_5:
0x14: {  	s14 =	sadd.s32 $0x1, s9  }
0x15: {  	s12 =	sadd.s32 $0x1000, s10;
	s16 =	smov.u32 s10;
	p2 =	sgt.s32 s14, $0xC7  }
0x16: {  	s16 =	smov.u32 @p2 s12  }
0x17: {  	s14 =	simm.s32 @p2 $0x0;
	p2 =	sgt.s32 s16, $0xFFF  }
0x18: {  	s16 =	smov.u32 @p2 s2;
	p2 =	sne.s32 s11, s7  }
.Ltmp1:
0x19: {  	p1 =	slt.u32 s11, $0x2;
	(pc) =	sbr.rel @!p2 .LBB1_6-.Ltmp1, $4  }
0x1a: {  	s15 =	simm.s32 @!p1 $0x2  }
0x1b: {  	s13 =	smov.u32 s10;
	p0 =	por !p0, !p0;
	_ =	swait.ge @!p1 [sflag:s15], $0x2000  }
0x1c: {  	s12 =	smov.u32 s9;
	[sflag:s15] =	ssyncset.done @!p1 $0x0;
	s9 =	smov.u32 s14  }
0x1d: {  	s11 =	sadd.s32 $0x1, s11;
	[sflag:s15] =	ssyncadd.s32 @!p1 $0xFFFFE000;
	s10 =	smov.u32 s16  }
.LBB1_1:
0x1e: {  	p1 =	sge.u32 s11, s5  }
0x1f: {  	s14 =	sand.u32 @!p1 $0x1FFFFFF, s9  }
0x20: {  	s15 =	smulhi.u32 @!p1 $0x147AE15, s14;
	_ =	sdelay $0x1  }
0x21: {  	s15 =	smul.u32 @!p1 $0xC8, s15  }
0x22: {  	s16 =	sxor.u32 @!p1 $0xFFFFFFFF, s11;
	s17 =	smul.u32 @!p1 $0xC80, s10  }
0x23: {  	s31 =	sadd.s32 $0xFFFFFFFF, s11;
	s16 =	sshll.u32 @!p1 s16, $0xD;
	s14 =	ssub.s32 @!p1 s14, s15  }
0x24: {  	s15 =	sand.u32 @!p1 $0x2000, s16;
	s16 =	sadd.s32 @!p1 s6, s17;
	s14 =	sshll.u32 @!p1 s14, $0x4  }
0x25: {  	s17 =	simm.s32 @!p1 $0x6400;
	s14 =	sadd.s32 @!p1 s14, s16;
	s16 =	simm.s32 @!p1 $0x40  }
0x26: {  	[tilespmem:s15], [sflag:$0x1] =	stream.strided.gather @!p1 [hbm4b:s14+s16], $0x2000, s17, s16, $0x38;
	[tilespmem:$0x8080] =	vst v63  }
0x27: {  	p1 =	sge.u32 s31, s5  }
.Ltmp2:
0x28: {  	_ = 	snop;
	(pc) =	sbr.rel @p1 .LBB1_5-.Ltmp2, $1  }
0x29: {  	_ =	sdelay $0x3  }
0x2a: {  	s14 =	simm.s32 $0x1  }
0x2b: {  	_ =	swait.ge [sflag:s4], $0x2000;
	s14 =	simm.s32 @!p0 $0x0  }
0x2c: {  	[sflag:s4] =	ssyncset.done $0x0;
	s15 =	sshll.u32 s14, $0xD  }
0x2d: {  	[sflag:s4] =	ssyncadd.s32 $0xFFFFE000;
	s18 =	sor.u32 $0x20, s15  }
0x2e: {  	s14 =	smul.u32 $0x8100, s14;
	v3 =	vld [tilespmem:s18+$0x10]  }
0x2f: {  	s30 =	sand.u32 $0x1, s11;
	v2 =	vld [tilespmem:s18+$0xFFFFFFF0]  }
0x30: {  	s15 =	smul.u32 $0x8100, s30;
	s14 =	sshrl.u32 s14, $0x2;
	v0 =	vld [tilespmem:s18+$0x0]  }
0x31: {  	v1 =	vld [tilespmem:s18+$0xFFFFFFE0];
	s16 =	sor.u32 $0x4000, s14  }
0x32: {  	s31 =	sshrl.u32 s15, $0x2;
	s15 =	sadd.s32 $0x0, s16  }
0x33: {  	s17 =	simm.s32 $0x4;
	s18 =	sadd.s32 $0x40, s18;
	s14 =	sor.u32 $0x4000, s31;
	[tilespmem:s15+$0x1830 ss:$0x81] =	vst.msk $0xffff, v3  }
.LBB1_3:
0x34: {  	v3 =	vld [tilespmem:s18+$0x10];
	p1 =	sne.s32 s17, $0x1FC;
	[tilespmem:s15+$0x810 ss:$0x81] =	vst.msk $0xffff, v2;
	s19 =	smov.u32 s17;
	s17 =	sadd.s32 $0x4, s17  }
.Ltmp3:
0x35: {  	v2 =	vld [tilespmem:s18+$0xFFFFFFF0];
	[tilespmem:s15+$0x1020 ss:$0x81] =	vst.msk $0xffff, v0;
	(pc) =	sbr.rel @p1 .LBB1_3-.Ltmp3, $4  }
0x36: {  	v0 =	vld [tilespmem:s18+$0x0];
	[tilespmem:s15+$0x0 ss:$0x81] =	vst.msk $0xffff, v1  }
0x37: {  	s15 =	sshra.s32 s19, $0x2;
	v1 =	vld [tilespmem:s18+$0xFFFFFFE0]  }
0x38: {  	s15 =	sadd.s32 s15, s16  }
0x39: {  	s18 =	sadd.s32 $0x40, s18;
	[tilespmem:s15+$0x1830 ss:$0x81] =	vst.msk $0xffff, v3  }
.Ltmp4:
0x3a: {  	_ = 	snop;
	(pc) =	sbr.rel .LBB1_4-.Ltmp4, $1  }
0x3b: {  	_ =	sdelay $0x3  }
.LBB1_6:
0x3c: {  	_ =	sfence.sel $0x180000  }
0x3d: {  	s2 =	simm.s32 $0x1;
	[bflag:$0x0] =	sbarrier.arrive $0xFFFF  }
0x3e: {  	s31 =	simm.s32 $0x2;
	[sflag:s2] =	ssyncpa.u1 $0x1  }
0x3f: {  	[sflag:s31] =	ssyncpa.u1 $0x1  }
0x40: {  	p0 =	sne.s32 s0, $0x0;
	_ =	strace $0x9000004A  }
0x41: {  	s0 =	sadd.s32 @!p0 $0x100000, s1;
	[bflag:$0x2] =	sbarrier.arrive $0xFFFF  }
0x42: {  	[sflag:s0] =	ssyncadd.tile.s32 @!p0 $0x1;
	_ =	shalt  }
.Lfunc_end1:
_tile_overlayer_lowered:
.L_overlay_start_2:
0x43: {  	(tag) =	ssettag $0x2  }
0x44: {  	s0 =	rddreg [dreg:$0x0];
	s2 =	stileid.u32  }
0x45: {  	s1 =	rddreg [dreg:$0x1];
	p0 =	sne.s32 s2, $0x0  }
0x46: {  	s3 =	rddreg [dreg:$0x2];
	[bflag:$0x3] =	sbarrier.arrive $0xFFFF;
	s2 =	simm.s32 @!p0 $0x1C01  }
0x47: {  	[timem:s3], [sflag:s2] =	dma.local @!p0 [hbm:s0], s1  }
0x48: {  	s0 =	simm.s32 @!p0 $0x1  }
0x49: {  	_ =	swait.ge @!p0 [sflag:s0], s1  }
0x4a: {  	s1 =	ssub.s32 @!p0 $0x0, s1;
	[sflag:s0] =	ssyncset.done @!p0 $0x0  }
0x4b: {  	[sflag:s0] =	ssyncadd.s32 @!p0 s1  }
0x4c: {  	[bflag:$0x3] =	sbarrier.arrive $0xFFFF  }
0x4d: {  	_ =	shalt  }

</sc_bundles>
